<compile_context>
chip_gen: v7x
topology: tpu7x:2x2x1
jax: 0.10.2.dev20260603
libtpu: 0.0.44.dev20260713+nightly
codegen_flags: <defaults>
</compile_context>

<pallas_src>
import functools

import jax
import jax.numpy as jnp
from jax import lax
from jax.experimental import pallas as pl
from jax.experimental.pallas import tpu as pltpu
from jax.experimental.pallas import tpu_sc as plsc

B = 128
P = 2000
U = 1000
D = 256
PP = P + 1
SQRT_D = 16.0
CLIP = 10.0

NC = 2
NS = 16
NW = NC * NS
GTOT = 131072
GROWS = GTOT // 128
GPW = GROWS // NW
UPAD = 1008
WPAD = 2016
RW = 8
UW = 1024

@functools.cache
def _sc_kernels():
    mesh = plsc.VectorSubcoreMesh(
        core_axis_name="c", subcore_axis_name="s",
        num_cores=NC, num_subcores=NS)

    params = pltpu.CompilerParams(use_tc_tiling_on_sc=False)

    @functools.partial(
        pl.kernel,
        out_type=jax.ShapeDtypeStruct((GROWS, 128, RW), jnp.float32),
        mesh=mesh,
        compiler_params=params,
        scratch_types=[
            pltpu.VMEM((GPW, 128), jnp.int32),
            pltpu.VMEM((128, RW), jnp.float32),
            pltpu.SemaphoreType.DMA,
        ],
    )
    def sc_gather(idx_hbm, table_hbm, out_hbm, idx_v, rows_v, sem):
        wid = lax.axis_index("s") * NC + lax.axis_index("c")
        base = wid * GPW
        pltpu.sync_copy(idx_hbm.at[pl.ds(base, GPW)], idx_v)

        def chunk(i, carry):
            pltpu.async_copy(table_hbm.at[idx_v.at[i]], rows_v, sem).wait()
            pltpu.sync_copy(rows_v, out_hbm.at[base + i])
            return carry

        lax.fori_loop(0, GPW, chunk, 0)

    @functools.partial(
        pl.kernel,
        out_type=jax.ShapeDtypeStruct((B, WPAD), jnp.float32),
        mesh=mesh,
        compiler_params=pltpu.CompilerParams(
            use_tc_tiling_on_sc=False, needs_layout_passes=False),
        scratch_types=[
            pltpu.VMEM((WPAD,), jnp.float32),
            pltpu.VMEM((UPAD,), jnp.int32),
            pltpu.VMEM((UPAD,), jnp.float32),
        ],
    )
    def sc_scatter(idx_hbm, p_hbm, out_hbm, buf, idx_v, p_v):
        wid = lax.axis_index("s") * NC + lax.axis_index("c")
        tail_mask = lax.broadcasted_iota(jnp.int32, (16,), 0) < (U % 16)

        def row(r, carry):
            b = wid * (B // NW) + r

            def zero(i, c):
                buf[pl.ds(i * 16, 16)] = jnp.zeros((16,), jnp.float32)
                return c

            lax.fori_loop(0, WPAD // 16, zero, 0)
            pltpu.sync_copy(idx_hbm.at[b], idx_v.at[pl.ds(0, U)])
            pltpu.sync_copy(p_hbm.at[b], p_v.at[pl.ds(0, U)])

            def scat(i, c):
                iv = idx_v[pl.ds(i * 16, 16)]
                pv = p_v[pl.ds(i * 16, 16)]
                plsc.store_scatter(buf, [iv], pv)
                return c

            lax.fori_loop(0, U // 16, scat, 0)
            iv = idx_v[pl.ds((U // 16) * 16, 16)]
            pv = p_v[pl.ds((U // 16) * 16, 16)]
            plsc.store_scatter(buf, [iv], pv, mask=tail_mask)
            pltpu.sync_copy(buf, out_hbm.at[b])
            return carry

        lax.fori_loop(0, B // NW, row, 0)

    return sc_gather, sc_scatter


RPB = 4


def _tc_body(dnd_ref, dist_ref, mask_ref, idx_ref, scal_ref,
             wemb_ref, bemb_ref, wqm_ref, wql_ref, wkv_ref,
             probs_ref, sel_ref, val_ref):
    wemb = wemb_ref[...]
    bemb = bemb_ref[...]
    scal = scal_ref[0]
    s_attn = scal[:, 0:1]
    s_com = scal[:, 1:2]

    for r in range(RPB):
        dnd_all = dnd_ref[r]
        enc_all = jnp.dot(dnd_all, wemb) + bemb
        enc_u = enc_all[:U]
        kv = lax.dot_general(enc_u.astype(jnp.bfloat16), wkv_ref[...],
                             (((1,), (0,)), ((), ())),
                             preferred_element_type=jnp.float32)
        k = kv[:, :D]
        v = kv[:, D:]

        enc_last = enc_all[U:U + 1]
        ld = dnd_all[U:U + 1, 3:4]
        q = jnp.dot(enc_last, wqm_ref[...]) + ld * wql_ref[...]
        sq = jax.nn.sigmoid(q)

        dist = dist_ref[r]
        mask = mask_ref[r]

        bias = -s_attn * dist + mask
        w = jnp.exp(bias - jnp.max(bias, axis=1, keepdims=True))
        k_exp = jnp.exp(k - jnp.max(k, axis=0, keepdims=True))
        num = lax.dot_general(w, k_exp * v, (((1,), (0,)), ((), ())))
        den = lax.dot_general(w, k_exp, (((1,), (0,)), ((), ())))
        aft = sq * (num / den)

        score = lax.dot_general(aft, enc_u, (((1,), (1,)), ((), ()))) / SQRT_D
        score = CLIP * jnp.tanh(score) - s_com * dist + mask
        m = jnp.max(score, axis=1, keepdims=True)
        e = jnp.exp(score - m)
        p = e / jnp.sum(e, axis=1, keepdims=True)
        probs_ref[r] = p

        pm = jnp.max(p, axis=1, keepdims=True)
        iota = lax.broadcasted_iota(jnp.int32, (1, U), 1)
        sel = jnp.min(jnp.where(p == pm, iota, U), axis=1, keepdims=True)
        tsel = jnp.sum(jnp.where(iota == sel, idx_ref[r], 0), axis=1,
                       keepdims=True)
        sel_ref[r] = jnp.broadcast_to(tsel, (1, 128))
        val_ref[r] = jnp.broadcast_to(pm, (1, 128))


def _tc_call(dnd_u, dist3, mask3, idx3, scal, wemb, bemb, wqm, wql, wkv):
    full = lambda shape: pl.BlockSpec(shape, lambda b: (0,) * len(shape))
    perb3 = lambda shape: pl.BlockSpec(shape, lambda b: (b, 0, 0))
    return pl.pallas_call(
        _tc_body,
        grid=(B // RPB,),
        in_specs=[
            perb3((RPB, UW, RW)),
            perb3((RPB, 1, U)),
            perb3((RPB, 1, U)),
            perb3((RPB, 1, U)),
            pl.BlockSpec((1, 1, 4), lambda b: (0, 0, 0)),
            full((RW, D)),
            full((1, D)),
            full((D, D)),
            full((1, D)),
            full((D, 2 * D)),
        ],
        out_specs=[
            perb3((RPB, 1, U)),
            perb3((RPB, 1, 128)),
            perb3((RPB, 1, 128)),
        ],
        out_shape=[
            jax.ShapeDtypeStruct((B, 1, U), jnp.float32),
            jax.ShapeDtypeStruct((B, 1, 128), jnp.int32),
            jax.ShapeDtypeStruct((B, 1, 128), jnp.float32),
        ],
    )(dnd_u, dist3, mask3, idx3, scal, wemb, bemb, wqm, wql, wkv)


@jax.jit
def kernel(depot_xy, node_xy, node_demand, load, cur_dist, ninf_mask,
           log_scale, W_emb, b_emb, Wq_last, Wk, Wv, alpha_attn, alpha_com,
           current_node, unvisited_index):
    loadc = jnp.broadcast_to(load[:, None, None], (B, PP, 1))
    depotr = jnp.concatenate(
        [depot_xy, jnp.zeros((B, 1, 1), jnp.float32), loadc[:, :1],
         jnp.zeros((B, 1, RW - 4), jnp.float32)], axis=2)
    noder = jnp.concatenate(
        [node_xy, node_demand[:, :, None], loadc[:, 1:],
         jnp.zeros((B, P, RW - 4), jnp.float32)], axis=2)
    table = jnp.concatenate([depotr, noder], axis=1).reshape(B * PP, RW)

    offs = (jnp.arange(B, dtype=jnp.int32) * PP)[:, None]
    uidx = unvisited_index.astype(jnp.int32)
    cidx = current_node.astype(jnp.int32)[:, None] + offs
    rows = jnp.concatenate(
        [uidx + offs, cidx, jnp.zeros((B, UW - U - 1), jnp.int32)], axis=1)
    idx2d = rows.reshape(GROWS, 128)

    sc_gather, sc_scatter = _sc_kernels()
    dnd_u = sc_gather(idx2d, table).reshape(B, UW, RW)

    scal = jnp.stack([log_scale[0] * alpha_attn[0],
                      log_scale[0] * alpha_com[0],
                      jnp.float32(0.0), jnp.float32(0.0)]).reshape(1, 1, 4)
    wemb = jnp.concatenate([W_emb, jnp.zeros((RW - 3, D), jnp.float32)],
                           axis=0)
    wkv = jnp.concatenate([Wk, Wv], axis=1).astype(jnp.bfloat16)
    probs3, sel3, val3 = _tc_call(
        dnd_u, cur_dist.reshape(B, 1, U), ninf_mask.reshape(B, 1, U),
        uidx.reshape(B, 1, U), scal, wemb, b_emb.reshape(1, D),
        Wq_last[:D], Wq_last[D:D + 1], wkv)

    upper = sc_scatter(uidx, probs3.reshape(B, U))[:, :PP]

    return (upper, sel3[:, 0, 0], val3[:, 0, 0])

# --- scband reference (transcript-rebuilt; emitter-appended) ---
"""Pipeline reference for scband-cvrpupper-model-38946763440477 (READ-ONLY COPY).

The authoritative reference and input builder live on the scoring server;
editing this copy changes nothing except your own understanding.
"""

import jax, jax.numpy as jnp
import numpy as np

B = 128
P = 2000
U = 1000
D = 256
SQRT_D = 16.0
CLIP = 10.0


def setup_inputs(seed: int = 0) -> dict:
    key = jax.random.key(seed)
    ks = jax.random.split(key, 12)
    depot_xy = jax.random.uniform(ks[0], (B, 1, 2), dtype=jnp.float32)
    node_xy = jax.random.uniform(ks[1], (B, P, 2), dtype=jnp.float32)
    node_demand = jax.random.uniform(ks[2], (B, P), dtype=jnp.float32)
    current_node = jax.random.randint(ks[3], (B,), 0, P + 1)
    load = jax.random.uniform(ks[4], (B,), dtype=jnp.float32)
    # unique sorted unvisited indices per row (sorted_randint semantics, duplicate-free for well-defined scatter)
    scores = jax.random.uniform(ks[5], (B, P + 1))
    unvisited_index = jnp.sort(jnp.argsort(scores, axis=1)[:, :U], axis=1)
    cur_dist = jax.random.uniform(ks[6], (B, U), dtype=jnp.float32)
    ninf_mask = jnp.zeros((B, U), dtype=jnp.float32)
    log_scale = jnp.ones((1,), dtype=jnp.float32)
    W_emb = jax.random.normal(ks[7], (3, D), dtype=jnp.float32) / np.sqrt(3.0)
    b_emb = jnp.zeros((D,), dtype=jnp.float32)
    Wq_last = jax.random.normal(ks[8], (D + 1, D), dtype=jnp.float32) / np.sqrt(D + 1.0)
    Wk = jax.random.normal(ks[9], (D, D), dtype=jnp.float32) / np.sqrt(float(D))
    Wv = jax.random.normal(ks[10], (D, D), dtype=jnp.float32) / np.sqrt(float(D))
    alpha_attn = jnp.ones((1,), dtype=jnp.float32)
    alpha_com = jnp.ones((1,), dtype=jnp.float32)
    return {
        'depot_xy': depot_xy, 'node_xy': node_xy, 'node_demand': node_demand,
        'load': load, 'cur_dist': cur_dist, 'ninf_mask': ninf_mask, 'log_scale': log_scale,
        'W_emb': W_emb, 'b_emb': b_emb, 'Wq_last': Wq_last, 'Wk': Wk, 'Wv': Wv,
        'alpha_attn': alpha_attn, 'alpha_com': alpha_com,
        'current_node': current_node, 'unvisited_index': unvisited_index,
    }


def reference(depot_xy, node_xy, node_demand, load, cur_dist, ninf_mask, log_scale,
              W_emb, b_emb, Wq_last, Wk, Wv, alpha_attn, alpha_com,
              current_node, unvisited_index):
    batch_idx = jnp.arange(B)[:, None]
    # pre_forward: embed depot + nodes with demand channel
    node_xy_demand = jnp.concatenate([node_xy, node_demand[:, :, None]], axis=2)
    depot_xy_demand = jnp.concatenate([depot_xy, jnp.zeros((B, 1, 1), depot_xy.dtype)], axis=2)
    dnd = jnp.concatenate([depot_xy_demand, node_xy_demand], axis=1)  # [B, P+1, 3]
    enc = dnd @ W_emb + b_emb  # [B, P+1, D]
    k_all = enc @ Wk
    v_all = enc @ Wv
    # decoder step
    enc_last = enc[batch_idx, current_node[:, None]]  # [B, 1, D]
    q_in = jnp.concatenate([enc_last, load[:, None, None]], axis=2)  # [B, 1, D+1]
    q = q_in @ Wq_last  # [B, 1, D]
    k = k_all[batch_idx, unvisited_index]  # [B, U, D] gather
    v = v_all[batch_idx, unvisited_index]
    sk = enc[batch_idx, unvisited_index]
    # adaptation attention free module (AFT-full with distance bias)
    bias_attn = -1.0 * log_scale[0] * alpha_attn[0] * cur_dist + ninf_mask  # [B, U]
    w = jnp.exp(bias_attn - jnp.max(bias_attn, axis=1, keepdims=True))  # row-common factor cancels
    K_exp = jnp.exp(k - jnp.max(k, axis=1, keepdims=True))
    num = jnp.einsum('bu,bud->bd', w, K_exp * v)
    den = jnp.einsum('bu,bud->bd', w, K_exp)
    aft_out = jax.nn.sigmoid(q) * (num / den)[:, None, :]  # [B, 1, D]
    # single-head compatibility
    bias_com = -1.0 * log_scale[0] * alpha_com[0] * cur_dist
    score = jnp.einsum('bod,bud->bou', aft_out, sk) / SQRT_D  # [B, 1, U]
    score = CLIP * jnp.tanh(score) + bias_com[:, None, :] + ninf_mask[:, None, :]
    probs = jax.nn.softmax(score, axis=2)[:, 0, :]  # [B, U]
    # greedy selection
    selected = jnp.argmax(probs, axis=1)
    selected_score = jnp.take_along_axis(probs, selected[:, None], axis=1)[:, 0]
    upper_scores = jnp.zeros((B, P + 1), probs.dtype).at[batch_idx, unvisited_index].set(probs)
    true_selected = jnp.take_along_axis(unvisited_index, selected[:, None], axis=1)[:, 0]
    return (upper_scores, true_selected, selected_score)

if __name__ == "__main__":
    import jax
    _d = setup_inputs()
    print(jax.jit(kernel)(*tuple(_d.values())))

</pallas_src>

<mosaic_0001>
#map = affine_map<(d0, d1) -> (0, 0)>
#map1 = affine_map<(d0, d1) -> (0, 0, 0)>
module attributes {stable_mosaic.version = 14 : i64} {
  func.func @sc_gather(%arg0: i32, %arg1: i32, %arg2: memref<1024x128xi32, #tpu.memory_space<hbm>>, %arg3: memref<256128x8xf32, #tpu.memory_space<hbm>>, %arg4: memref<1024x128x8xf32, #tpu.memory_space<hbm>>, %arg5: memref<32x128xi32, #tpu.memory_space<vmem>>, %arg6: memref<128x8xf32, #tpu.memory_space<vmem>>, %arg7: memref<!tpu.dma_semaphore, #tpu.memory_space<semaphore_mem>>) attributes {dimension_semantics = [#tpu.dimension_semantics<core_parallel>, #tpu.dimension_semantics<subcore_parallel>], iteration_bounds = array<i64: 2, 16>, scalar_prefetch = 0 : i64, scratch_operands = 3 : i64, tpu.core_type = #tpu.core_type<sc_vector_subcore>, window_params = [{transform_indices = #map}, {transform_indices = #map}, {transform_indices = #map1}]} {
    %mul3A = arith.constant 2 : i32
    %mul3A_0 = arith.muli %arg1, %mul3A : i32
    %add3A = arith.addi %mul3A_0, %arg0 : i32
    %mul3A_1 = arith.constant 32 : i32
    %mul3A_2 = arith.muli %add3A, %mul3A_1 : i32
    "tpu.region"() ({
      %run_scoped3A = tpu.sem_alloc : memref<!tpu.dma_semaphore, #tpu.memory_space<semaphore_mem>>
      %dma_start3A = arith.constant 0 : i32
      %dma_start3A_8 = tpu.memref_slice %arg2[%mul3A_2, %dma_start3A] : memref<1024x128xi32, #tpu.memory_space<hbm>> -> memref<32x128xi32, #tpu.memory_space<hbm>>
      %dma_start3A_9 = arith.constant 0 : i32
      %dma_start3A_10 = tpu.memref_slice %arg2[%mul3A_2, %dma_start3A_9] : memref<1024x128xi32, #tpu.memory_space<hbm>> -> memref<32x128xi32, #tpu.memory_space<hbm>>
      tpu.enqueue_dma source(%dma_start3A_10 : memref<32x128xi32, #tpu.memory_space<hbm>>) target(%arg5 : memref<32x128xi32, #tpu.memory_space<vmem>>) target_semaphore(%run_scoped3A : memref<!tpu.dma_semaphore, #tpu.memory_space<semaphore_mem>>)
      %dma_wait3A = arith.constant 0 : i32
      %dma_wait3A_11 = tpu.memref_slice %arg2[%mul3A_2, %dma_wait3A] : memref<1024x128xi32, #tpu.memory_space<hbm>> -> memref<32x128xi32, #tpu.memory_space<hbm>>
      %dma_wait3A_12 = arith.constant 0 : i32
      %dma_wait3A_13 = tpu.memref_slice %arg2[%mul3A_2, %dma_wait3A_12] : memref<1024x128xi32, #tpu.memory_space<hbm>> -> memref<32x128xi32, #tpu.memory_space<hbm>>
      tpu.wait_dma2 semaphore(%run_scoped3A : memref<!tpu.dma_semaphore, #tpu.memory_space<semaphore_mem>>) src(%dma_wait3A_13 : memref<32x128xi32, #tpu.memory_space<hbm>>) dst(%arg5 : memref<32x128xi32, #tpu.memory_space<vmem>>)
      tpu.yield
    }) : () -> ()
    %scan3A = arith.constant 0 : i32
    %scan3A_3 = arith.constant 0 : i32
    %scan3A_4 = arith.constant 32 : i32
    %scan3A_5 = arith.addi %scan3A_3, %scan3A_4 : i32
    %scan3A_6 = arith.constant 1 : i32
    scf.for %scan3A_8 = %scan3A_3 to %scan3A_5 step %scan3A_6  : i32 {
      %dma_start3A = arith.constant 0 : i32
      %dma_start3A_9 = tpu.memref_slice %arg5[%scan3A_8, %dma_start3A] : memref<32x128xi32, #tpu.memory_space<vmem>> -> memref<1x128xi32, #tpu.memory_space<vmem>>
      %dma_start3A_10 = tpu.memref_squeeze %dma_start3A_9 : memref<1x128xi32, #tpu.memory_space<vmem>> -> memref<128xi32, #tpu.memory_space<vmem>>
      %dma_start3A_11 = arith.constant 0 : i32
      %dma_start3A_12 = arith.constant 0 : i32
      %dma_start3A_13 = tpu.memref_slice %arg3[%dma_start3A_11, %dma_start3A_12] : memref<256128x8xf32, #tpu.memory_space<hbm>> -> memref<256128x8xf32, #tpu.memory_space<hbm>>
      tpu.enqueue_indirect_dma source(%dma_start3A_13 : memref<256128x8xf32, #tpu.memory_space<hbm>>) target(%arg6 : memref<128x8xf32, #tpu.memory_space<vmem>>) offsets(%dma_start3A_10 : memref<128xi32, #tpu.memory_space<vmem>>) semaphore(%arg7 : memref<!tpu.dma_semaphore, #tpu.memory_space<semaphore_mem>>)
      %dma_wait3A = arith.constant 0 : i32
      %dma_wait3A_14 = tpu.memref_slice %arg5[%scan3A_8, %dma_wait3A] : memref<32x128xi32, #tpu.memory_space<vmem>> -> memref<1x128xi32, #tpu.memory_space<vmem>>
      %dma_wait3A_15 = tpu.memref_squeeze %dma_wait3A_14 : memref<1x128xi32, #tpu.memory_space<vmem>> -> memref<128xi32, #tpu.memory_space<vmem>>
      %dma_wait3A_16 = arith.constant 0 : i32
      %dma_wait3A_17 = arith.constant 0 : i32
      %dma_wait3A_18 = tpu.memref_slice %arg3[%dma_wait3A_16, %dma_wait3A_17] : memref<256128x8xf32, #tpu.memory_space<hbm>> -> memref<256128x8xf32, #tpu.memory_space<hbm>>
      tpu.wait_indirect_dma semaphore(%arg7 : memref<!tpu.dma_semaphore, #tpu.memory_space<semaphore_mem>>) src(%dma_wait3A_18 : memref<256128x8xf32, #tpu.memory_space<hbm>>) dst(%arg6 : memref<128x8xf32, #tpu.memory_space<vmem>>)
      %add3A_19 = arith.addi %mul3A_2, %scan3A_8 : i32
      "tpu.region"() ({
        %run_scoped3A = tpu.sem_alloc : memref<!tpu.dma_semaphore, #tpu.memory_space<semaphore_mem>>
        %dma_start3A_20 = arith.constant 0 : i32
        %dma_start3A_21 = arith.constant 0 : i32
        %dma_start3A_22 = tpu.memref_slice %arg4[%add3A_19, %dma_start3A_20, %dma_start3A_21] : memref<1024x128x8xf32, #tpu.memory_space<hbm>> -> memref<1x128x8xf32, #tpu.memory_space<hbm>>
        %dma_start3A_23 = tpu.memref_squeeze %dma_start3A_22 : memref<1x128x8xf32, #tpu.memory_space<hbm>> -> memref<128x8xf32, #tpu.memory_space<hbm>>
        %dma_start3A_24 = arith.constant 0 : i32
        %dma_start3A_25 = arith.constant 0 : i32
        %dma_start3A_26 = tpu.memref_slice %arg4[%add3A_19, %dma_start3A_24, %dma_start3A_25] : memref<1024x128x8xf32, #tpu.memory_space<hbm>> -> memref<1x128x8xf32, #tpu.memory_space<hbm>>
        %dma_start3A_27 = tpu.memref_squeeze %dma_start3A_26 : memref<1x128x8xf32, #tpu.memory_space<hbm>> -> memref<128x8xf32, #tpu.memory_space<hbm>>
        tpu.enqueue_dma source(%arg6 : memref<128x8xf32, #tpu.memory_space<vmem>>) target(%dma_start3A_27 : memref<128x8xf32, #tpu.memory_space<hbm>>) target_semaphore(%run_scoped3A : memref<!tpu.dma_semaphore, #tpu.memory_space<semaphore_mem>>)
        %dma_wait3A_28 = arith.constant 0 : i32
        %dma_wait3A_29 = arith.constant 0 : i32
        %dma_wait3A_30 = tpu.memref_slice %arg4[%add3A_19, %dma_wait3A_28, %dma_wait3A_29] : memref<1024x128x8xf32, #tpu.memory_space<hbm>> -> memref<1x128x8xf32, #tpu.memory_space<hbm>>
        %dma_wait3A_31 = tpu.memref_squeeze %dma_wait3A_30 : memref<1x128x8xf32, #tpu.memory_space<hbm>> -> memref<128x8xf32, #tpu.memory_space<hbm>>
        %dma_wait3A_32 = arith.constant 0 : i32
        %dma_wait3A_33 = arith.constant 0 : i32
        %dma_wait3A_34 = tpu.memref_slice %arg4[%add3A_19, %dma_wait3A_32, %dma_wait3A_33] : memref<1024x128x8xf32, #tpu.memory_space<hbm>> -> memref<1x128x8xf32, #tpu.memory_space<hbm>>
        %dma_wait3A_35 = tpu.memref_squeeze %dma_wait3A_34 : memref<1x128x8xf32, #tpu.memory_space<hbm>> -> memref<128x8xf32, #tpu.memory_space<hbm>>
        tpu.wait_dma2 semaphore(%run_scoped3A : memref<!tpu.dma_semaphore, #tpu.memory_space<semaphore_mem>>) src(%arg6 : memref<128x8xf32, #tpu.memory_space<vmem>>) dst(%dma_wait3A_35 : memref<128x8xf32, #tpu.memory_space<hbm>>)
        tpu.yield
      }) : () -> ()
    }
    %scan3A_7 = arith.constant 32 : i32
    return
  }
}

#map = affine_map<(d0, d1) -> (0, 0)>
module attributes {stable_mosaic.version = 14 : i64} {
  func.func @sc_scatter(%arg0: i32, %arg1: i32, %arg2: memref<128x1000xi32, #tpu.memory_space<hbm>>, %arg3: memref<128x1000xf32, #tpu.memory_space<hbm>>, %arg4: memref<128x2016xf32, #tpu.memory_space<hbm>>, %arg5: memref<2016xf32, #tpu.memory_space<vmem>>, %arg6: memref<1008xi32, #tpu.memory_space<vmem>>, %arg7: memref<1008xf32, #tpu.memory_space<vmem>>) attributes {dimension_semantics = [#tpu.dimension_semantics<core_parallel>, #tpu.dimension_semantics<subcore_parallel>], iteration_bounds = array<i64: 2, 16>, scalar_prefetch = 0 : i64, scratch_operands = 3 : i64, tpu.core_type = #tpu.core_type<sc_vector_subcore>, window_params = [{transform_indices = #map}, {transform_indices = #map}, {transform_indices = #map}]} {
    %mul3A = arith.constant 2 : i32
    %mul3A_0 = arith.muli %arg1, %mul3A : i32
    %add3A = arith.addi %mul3A_0, %arg0 : i32
    %iota3A = tpu.iota {dimensions = array<i32: 0>} : vector<16xi32>
    %lt3A = arith.constant 8 : i32
    %lt3A_1 = vector.broadcast %lt3A : i32 to vector<16xi32>
    %lt3A_2 = arith.cmpi slt, %iota3A, %lt3A_1 : vector<16xi32>
    %scan3A = arith.constant 0 : i32
    %scan3A_3 = arith.constant 0 : i32
    %scan3A_4 = arith.constant 4 : i32
    %scan3A_5 = arith.addi %scan3A_3, %scan3A_4 : i32
    %scan3A_6 = arith.constant 1 : i32
    scf.for %scan3A_8 = %scan3A_3 to %scan3A_5 step %scan3A_6  : i32 {
      %mul3A_9 = arith.constant 4 : i32
      %mul3A_10 = arith.muli %add3A, %mul3A_9 : i32
      %add3A_11 = arith.addi %mul3A_10, %scan3A_8 : i32
      %scan3A_12 = arith.constant 0 : i32
      %scan3A_13 = arith.constant 0 : i32
      %scan3A_14 = arith.constant 126 : i32
      %scan3A_15 = arith.addi %scan3A_13, %scan3A_14 : i32
      %scan3A_16 = arith.constant 1 : i32
      scf.for %scan3A_27 = %scan3A_13 to %scan3A_15 step %scan3A_16  : i32 {
        %broadcast_in_dim3A = arith.constant 0.000000e+00 : f32
        %broadcast_in_dim3A_28 = vector.broadcast %broadcast_in_dim3A : f32 to vector<16xf32>
        %mul3A_29 = arith.constant 16 : i32
        %mul3A_30 = arith.muli %scan3A_27, %mul3A_29 : i32
        %swap3A = arith.index_cast %mul3A_30 : i32 to index
        %swap3A_31 = tpu.vector_load %arg5[%swap3A] {strides = array<i32>} : memref<2016xf32, #tpu.memory_space<vmem>>, vector<16xf32>,
        tpu.vector_store %arg5[%swap3A], %broadcast_in_dim3A_28 {strides = array<i32>} : memref<2016xf32, #tpu.memory_space<vmem>>, vector<16xf32>,
      }
      %scan3A_17 = arith.constant 126 : i32
      "tpu.region"() ({
        %run_scoped3A = tpu.sem_alloc : memref<!tpu.dma_semaphore, #tpu.memory_space<semaphore_mem>>
        %dma_start3A = arith.constant 0 : i32
        %dma_start3A_27 = tpu.memref_slice %arg6[%dma_start3A] : memref<1008xi32, #tpu.memory_space<vmem>> -> memref<1000xi32, #tpu.memory_space<vmem>>
        %dma_start3A_28 = arith.constant 0 : i32
        %dma_start3A_29 = tpu.memref_slice %arg2[%add3A_11, %dma_start3A_28] : memref<128x1000xi32, #tpu.memory_space<hbm>> -> memref<1x1000xi32, #tpu.memory_space<hbm>>
        %dma_start3A_30 = tpu.memref_squeeze %dma_start3A_29 : memref<1x1000xi32, #tpu.memory_space<hbm>> -> memref<1000xi32, #tpu.memory_space<hbm>>
        %dma_start3A_31 = arith.constant 0 : i32
        %dma_start3A_32 = tpu.memref_slice %arg6[%dma_start3A_31] : memref<1008xi32, #tpu.memory_space<vmem>> -> memref<1000xi32, #tpu.memory_space<vmem>>
        %dma_start3A_33 = arith.constant 0 : i32
        %dma_start3A_34 = tpu.memref_slice %arg2[%add3A_11, %dma_start3A_33] : memref<128x1000xi32, #tpu.memory_space<hbm>> -> memref<1x1000xi32, #tpu.memory_space<hbm>>
        %dma_start3A_35 = tpu.memref_squeeze %dma_start3A_34 : memref<1x1000xi32, #tpu.memory_space<hbm>> -> memref<1000xi32, #tpu.memory_space<hbm>>
        tpu.enqueue_dma source(%dma_start3A_35 : memref<1000xi32, #tpu.memory_space<hbm>>) target(%dma_start3A_32 : memref<1000xi32, #tpu.memory_space<vmem>>) target_semaphore(%run_scoped3A : memref<!tpu.dma_semaphore, #tpu.memory_space<semaphore_mem>>)
        %dma_wait3A = arith.constant 0 : i32
        %dma_wait3A_36 = tpu.memref_slice %arg6[%dma_wait3A] : memref<1008xi32, #tpu.memory_space<vmem>> -> memref<1000xi32, #tpu.memory_space<vmem>>
        %dma_wait3A_37 = arith.constant 0 : i32
        %dma_wait3A_38 = tpu.memref_slice %arg2[%add3A_11, %dma_wait3A_37] : memref<128x1000xi32, #tpu.memory_space<hbm>> -> memref<1x1000xi32, #tpu.memory_space<hbm>>
        %dma_wait3A_39 = tpu.memref_squeeze %dma_wait3A_38 : memref<1x1000xi32, #tpu.memory_space<hbm>> -> memref<1000xi32, #tpu.memory_space<hbm>>
        %dma_wait3A_40 = arith.constant 0 : i32
        %dma_wait3A_41 = tpu.memref_slice %arg6[%dma_wait3A_40] : memref<1008xi32, #tpu.memory_space<vmem>> -> memref<1000xi32, #tpu.memory_space<vmem>>
        %dma_wait3A_42 = arith.constant 0 : i32
        %dma_wait3A_43 = tpu.memref_slice %arg2[%add3A_11, %dma_wait3A_42] : memref<128x1000xi32, #tpu.memory_space<hbm>> -> memref<1x1000xi32, #tpu.memory_space<hbm>>
        %dma_wait3A_44 = tpu.memref_squeeze %dma_wait3A_43 : memref<1x1000xi32, #tpu.memory_space<hbm>> -> memref<1000xi32, #tpu.memory_space<hbm>>
        tpu.wait_dma2 semaphore(%run_scoped3A : memref<!tpu.dma_semaphore, #tpu.memory_space<semaphore_mem>>) src(%dma_wait3A_44 : memref<1000xi32, #tpu.memory_space<hbm>>) dst(%dma_wait3A_41 : memref<1000xi32, #tpu.memory_space<vmem>>)
        tpu.yield
      }) : () -> ()
      "tpu.region"() ({
        %run_scoped3A = tpu.sem_alloc : memref<!tpu.dma_semaphore, #tpu.memory_space<semaphore_mem>>
        %dma_start3A = arith.constant 0 : i32
        %dma_start3A_27 = tpu.memref_slice %arg7[%dma_start3A] : memref<1008xf32, #tpu.memory_space<vmem>> -> memref<1000xf32, #tpu.memory_space<vmem>>
        %dma_start3A_28 = arith.constant 0 : i32
        %dma_start3A_29 = tpu.memref_slice %arg3[%add3A_11, %dma_start3A_28] : memref<128x1000xf32, #tpu.memory_space<hbm>> -> memref<1x1000xf32, #tpu.memory_space<hbm>>
        %dma_start3A_30 = tpu.memref_squeeze %dma_start3A_29 : memref<1x1000xf32, #tpu.memory_space<hbm>> -> memref<1000xf32, #tpu.memory_space<hbm>>
        %dma_start3A_31 = arith.constant 0 : i32
        %dma_start3A_32 = tpu.memref_slice %arg7[%dma_start3A_31] : memref<1008xf32, #tpu.memory_space<vmem>> -> memref<1000xf32, #tpu.memory_space<vmem>>
        %dma_start3A_33 = arith.constant 0 : i32
        %dma_start3A_34 = tpu.memref_slice %arg3[%add3A_11, %dma_start3A_33] : memref<128x1000xf32, #tpu.memory_space<hbm>> -> memref<1x1000xf32, #tpu.memory_space<hbm>>
        %dma_start3A_35 = tpu.memref_squeeze %dma_start3A_34 : memref<1x1000xf32, #tpu.memory_space<hbm>> -> memref<1000xf32, #tpu.memory_space<hbm>>
        tpu.enqueue_dma source(%dma_start3A_35 : memref<1000xf32, #tpu.memory_space<hbm>>) target(%dma_start3A_32 : memref<1000xf32, #tpu.memory_space<vmem>>) target_semaphore(%run_scoped3A : memref<!tpu.dma_semaphore, #tpu.memory_space<semaphore_mem>>)
        %dma_wait3A = arith.constant 0 : i32
        %dma_wait3A_36 = tpu.memref_slice %arg7[%dma_wait3A] : memref<1008xf32, #tpu.memory_space<vmem>> -> memref<1000xf32, #tpu.memory_space<vmem>>
        %dma_wait3A_37 = arith.constant 0 : i32
        %dma_wait3A_38 = tpu.memref_slice %arg3[%add3A_11, %dma_wait3A_37] : memref<128x1000xf32, #tpu.memory_space<hbm>> -> memref<1x1000xf32, #tpu.memory_space<hbm>>
        %dma_wait3A_39 = tpu.memref_squeeze %dma_wait3A_38 : memref<1x1000xf32, #tpu.memory_space<hbm>> -> memref<1000xf32, #tpu.memory_space<hbm>>
        %dma_wait3A_40 = arith.constant 0 : i32
        %dma_wait3A_41 = tpu.memref_slice %arg7[%dma_wait3A_40] : memref<1008xf32, #tpu.memory_space<vmem>> -> memref<1000xf32, #tpu.memory_space<vmem>>
        %dma_wait3A_42 = arith.constant 0 : i32
        %dma_wait3A_43 = tpu.memref_slice %arg3[%add3A_11, %dma_wait3A_42] : memref<128x1000xf32, #tpu.memory_space<hbm>> -> memref<1x1000xf32, #tpu.memory_space<hbm>>
        %dma_wait3A_44 = tpu.memref_squeeze %dma_wait3A_43 : memref<1x1000xf32, #tpu.memory_space<hbm>> -> memref<1000xf32, #tpu.memory_space<hbm>>
        tpu.wait_dma2 semaphore(%run_scoped3A : memref<!tpu.dma_semaphore, #tpu.memory_space<semaphore_mem>>) src(%dma_wait3A_44 : memref<1000xf32, #tpu.memory_space<hbm>>) dst(%dma_wait3A_41 : memref<1000xf32, #tpu.memory_space<vmem>>)
        tpu.yield
      }) : () -> ()
      %scan3A_18 = arith.constant 0 : i32
      %scan3A_19 = arith.constant 0 : i32
      %scan3A_20 = arith.constant 62 : i32
      %scan3A_21 = arith.addi %scan3A_19, %scan3A_20 : i32
      %scan3A_22 = arith.constant 1 : i32
      scf.for %scan3A_27 = %scan3A_19 to %scan3A_21 step %scan3A_22  : i32 {
        %mul3A_28 = arith.constant 16 : i32
        %mul3A_29 = arith.muli %scan3A_27, %mul3A_28 : i32
        %get3A_30 = arith.index_cast %mul3A_29 : i32 to index
        %get3A_31 = tpu.vector_load %arg6[%get3A_30] {strides = array<i32>} : memref<1008xi32, #tpu.memory_space<vmem>>, vector<16xi32>,
        %mul3A_32 = arith.constant 16 : i32
        %mul3A_33 = arith.muli %scan3A_27, %mul3A_32 : i32
        %get3A_34 = arith.index_cast %mul3A_33 : i32 to index
        %get3A_35 = tpu.vector_load %arg7[%get3A_34] {strides = array<i32>} : memref<1008xf32, #tpu.memory_space<vmem>>, vector<16xf32>,
        tpu.vector_store_idx %arg5[%get3A_31], %get3A_35 : memref<2016xf32, #tpu.memory_space<vmem>>[vector<16xi32>], vector<16xf32>,
      }
      %scan3A_23 = arith.constant 62 : i32
      %get3A = arith.constant 992 : index
      %get3A_24 = tpu.vector_load %arg6[%get3A] {strides = array<i32>} : memref<1008xi32, #tpu.memory_space<vmem>>, vector<16xi32>,
      %get3A_25 = arith.constant 992 : index
      %get3A_26 = tpu.vector_load %arg7[%get3A_25] {strides = array<i32>} : memref<1008xf32, #tpu.memory_space<vmem>>, vector<16xf32>,
      tpu.vector_store_idx %arg5[%get3A_24], %get3A_26 masked %lt3A_2 : memref<2016xf32, #tpu.memory_space<vmem>>[vector<16xi32>], vector<16xf32>, vector<16xi1>
      "tpu.region"() ({
        %run_scoped3A = tpu.sem_alloc : memref<!tpu.dma_semaphore, #tpu.memory_space<semaphore_mem>>
        %dma_start3A = arith.constant 0 : i32
        %dma_start3A_27 = tpu.memref_slice %arg4[%add3A_11, %dma_start3A] : memref<128x2016xf32, #tpu.memory_space<hbm>> -> memref<1x2016xf32, #tpu.memory_space<hbm>>
        %dma_start3A_28 = tpu.memref_squeeze %dma_start3A_27 : memref<1x2016xf32, #tpu.memory_space<hbm>> -> memref<2016xf32, #tpu.memory_space<hbm>>
        %dma_start3A_29 = arith.constant 0 : i32
        %dma_start3A_30 = tpu.memref_slice %arg4[%add3A_11, %dma_start3A_29] : memref<128x2016xf32, #tpu.memory_space<hbm>> -> memref<1x2016xf32, #tpu.memory_space<hbm>>
        %dma_start3A_31 = tpu.memref_squeeze %dma_start3A_30 : memref<1x2016xf32, #tpu.memory_space<hbm>> -> memref<2016xf32, #tpu.memory_space<hbm>>
        tpu.enqueue_dma source(%arg5 : memref<2016xf32, #tpu.memory_space<vmem>>) target(%dma_start3A_31 : memref<2016xf32, #tpu.memory_space<hbm>>) target_semaphore(%run_scoped3A : memref<!tpu.dma_semaphore, #tpu.memory_space<semaphore_mem>>)
        %dma_wait3A = arith.constant 0 : i32
        %dma_wait3A_32 = tpu.memref_slice %arg4[%add3A_11, %dma_wait3A] : memref<128x2016xf32, #tpu.memory_space<hbm>> -> memref<1x2016xf32, #tpu.memory_space<hbm>>
        %dma_wait3A_33 = tpu.memref_squeeze %dma_wait3A_32 : memref<1x2016xf32, #tpu.memory_space<hbm>> -> memref<2016xf32, #tpu.memory_space<hbm>>
        %dma_wait3A_34 = arith.constant 0 : i32
        %dma_wait3A_35 = tpu.memref_slice %arg4[%add3A_11, %dma_wait3A_34] : memref<128x2016xf32, #tpu.memory_space<hbm>> -> memref<1x2016xf32, #tpu.memory_space<hbm>>
        %dma_wait3A_36 = tpu.memref_squeeze %dma_wait3A_35 : memref<1x2016xf32, #tpu.memory_space<hbm>> -> memref<2016xf32, #tpu.memory_space<hbm>>
        tpu.wait_dma2 semaphore(%run_scoped3A : memref<!tpu.dma_semaphore, #tpu.memory_space<semaphore_mem>>) src(%arg5 : memref<2016xf32, #tpu.memory_space<vmem>>) dst(%dma_wait3A_36 : memref<2016xf32, #tpu.memory_space<hbm>>)
        tpu.yield
      }) : () -> ()
    }
    %scan3A_7 = arith.constant 4 : i32
    return
  }
}

module attributes {stable_mosaic.version = 14 : i64} {
  func.func @_tc_body(%arg0: i32, %arg1: memref<4x1024x8xf32, #tpu.memory_space<vmem>>, %arg2: memref<4x1x1000xf32, #tpu.memory_space<vmem>>, %arg3: memref<4x1x1000xf32, #tpu.memory_space<vmem>>, %arg4: memref<4x1x1000xi32, #tpu.memory_space<vmem>>, %arg5: memref<1x1x4xf32, #tpu.memory_space<vmem>>, %arg6: memref<8x256xf32, #tpu.memory_space<vmem>>, %arg7: memref<1x256xf32, #tpu.memory_space<vmem>>, %arg8: memref<256x256xf32, #tpu.memory_space<vmem>>, %arg9: memref<1x256xf32, #tpu.memory_space<vmem>>, %arg10: memref<256x512xbf16, #tpu.memory_space<vmem>>, %arg11: memref<4x1x1000xf32, #tpu.memory_space<vmem>>, %arg12: memref<4x1x128xi32, #tpu.memory_space<vmem>>, %arg13: memref<4x1x128xf32, #tpu.memory_space<vmem>>) attributes {dimension_semantics = [#tpu.dimension_semantics<arbitrary>], iteration_bounds = array<i64: 32>, scalar_prefetch = 0 : i64, scratch_operands = 0 : i64, tpu.core_type = #tpu.core_type<tc>, window_params = [{transform_indices = @transform_0, window_bounds = array<i64: 4, 1024, 8>}, {transform_indices = @transform_1, window_bounds = array<i64: 4, 1, 1000>}, {transform_indices = @transform_2, window_bounds = array<i64: 4, 1, 1000>}, {transform_indices = @transform_3, window_bounds = array<i64: 4, 1, 1000>}, {pipeline_mode = #tpu.pipeline_mode<synchronous>, transform_indices = @transform_4, window_bounds = array<i64: 1, 1, 4>}, {pipeline_mode = #tpu.pipeline_mode<synchronous>, transform_indices = @transform_5, window_bounds = array<i64: 8, 256>}, {pipeline_mode = #tpu.pipeline_mode<synchronous>, transform_indices = @transform_6, window_bounds = array<i64: 1, 256>}, {pipeline_mode = #tpu.pipeline_mode<synchronous>, transform_indices = @transform_7, window_bounds = array<i64: 256, 256>}, {pipeline_mode = #tpu.pipeline_mode<synchronous>, transform_indices = @transform_8, window_bounds = array<i64: 1, 256>}, {pipeline_mode = #tpu.pipeline_mode<synchronous>, transform_indices = @transform_9, window_bounds = array<i64: 256, 512>}, {transform_indices = @transform_10, window_bounds = array<i64: 4, 1, 1000>}, {transform_indices = @transform_11, window_bounds = array<i64: 4, 1, 128>}, {transform_indices = @transform_12, window_bounds = array<i64: 4, 1, 128>}]} {
    %get3A = arith.constant 0 : index
    %get3A_0 = arith.constant 0 : index
    %get3A_1 = vector.load %arg6[%get3A, %get3A_0] : memref<8x256xf32, #tpu.memory_space<vmem>>, vector<8x256xf32>
    %get3A_2 = arith.constant 0 : index
    %get3A_3 = arith.constant 0 : index
    %get3A_4 = vector.load %arg7[%get3A_2, %get3A_3] : memref<1x256xf32, #tpu.memory_space<vmem>>, vector<1x256xf32>
    %get3A_5 = arith.constant 0 : index
    %get3A_6 = arith.constant 0 : index
    %get3A_7 = arith.constant 0 : index
    %get3A_8 = vector.load %arg5[%get3A_5, %get3A_6, %get3A_7] : memref<1x1x4xf32, #tpu.memory_space<vmem>>, vector<1x1x4xf32>
    %get3A_9 = vector.shape_cast %get3A_8 : vector<1x1x4xf32> to vector<1x4xf32>
    %slice3A = vector.extract_strided_slice %get3A_9 {offsets = [0, 0], sizes = [1, 1], strides = [1, 1]} : vector<1x4xf32> to vector<1x1xf32>
    %slice3A_10 = vector.extract_strided_slice %get3A_9 {offsets = [0, 1], sizes = [1, 1], strides = [1, 1]} : vector<1x4xf32> to vector<1x1xf32>
    %get3A_11 = arith.constant 0 : index
    %get3A_12 = arith.constant 0 : index
    %get3A_13 = arith.constant 0 : index
    %get3A_14 = vector.load %arg1[%get3A_11, %get3A_12, %get3A_13] : memref<4x1024x8xf32, #tpu.memory_space<vmem>>, vector<1x1024x8xf32>
    %get3A_15 = vector.shape_cast %get3A_14 : vector<1x1024x8xf32> to vector<1024x8xf32>
    %dot_general3A = arith.constant dense<0.000000e+00> : vector<1024x256xf32>
    %dot_general3A_16 = tpu.matmul %get3A_15, %get3A_1, %dot_general3A {dimension_numbers = #tpu.dot_dimension_numbers<[1], [0], [0], [1], [0, 0, 1, 1], [], []>, transpose_lhs_hint = false} : vector<1024x8xf32>, vector<8x256xf32>, vector<1024x256xf32> -> vector<1024x256xf32>
    %add3A = vector.broadcast %get3A_4 : vector<1x256xf32> to vector<1024x256xf32>
    %add3A_17 = arith.addf %dot_general3A_16, %add3A : vector<1024x256xf32>
    %slice3A_18 = vector.extract_strided_slice %add3A_17 {offsets = [0, 0], sizes = [1000, 256], strides = [1, 1]} : vector<1024x256xf32> to vector<1000x256xf32>
    %convert_element_type3A = arith.truncf %slice3A_18 : vector<1000x256xf32> to vector<1000x256xbf16>
    %get3A_19 = arith.constant 0 : index
    %get3A_20 = arith.constant 0 : index
    %get3A_21 = vector.load %arg10[%get3A_19, %get3A_20] : memref<256x512xbf16, #tpu.memory_space<vmem>>, vector<256x512xbf16>
    %dot_general3A_22 = arith.constant dense<0.000000e+00> : vector<1000x512xf32>
    %dot_general3A_23 = tpu.matmul %convert_element_type3A, %get3A_21, %dot_general3A_22 {dimension_numbers = #tpu.dot_dimension_numbers<[1], [0], [0], [1], [0, 0, 1, 1], [], []>, transpose_lhs_hint = false} : vector<1000x256xbf16>, vector<256x512xbf16>, vector<1000x512xf32> -> vector<1000x512xf32>
    %slice3A_24 = vector.extract_strided_slice %dot_general3A_23 {offsets = [0, 0], sizes = [1000, 256], strides = [1, 1]} : vector<1000x512xf32> to vector<1000x256xf32>
    %slice3A_25 = vector.extract_strided_slice %dot_general3A_23 {offsets = [0, 256], sizes = [1000, 256], strides = [1, 1]} : vector<1000x512xf32> to vector<1000x256xf32>
    %slice3A_26 = vector.extract_strided_slice %add3A_17 {offsets = [1000, 0], sizes = [1, 256], strides = [1, 1]} : vector<1024x256xf32> to vector<1x256xf32>
    %slice3A_27 = vector.extract_strided_slice %get3A_15 {offsets = [1000, 3], sizes = [1, 1], strides = [1, 1]} : vector<1024x8xf32> to vector<1x1xf32>
    %get3A_28 = arith.constant 0 : index
    %get3A_29 = arith.constant 0 : index
    %get3A_30 = vector.load %arg8[%get3A_28, %get3A_29] : memref<256x256xf32, #tpu.memory_space<vmem>>, vector<256x256xf32>
    %dot_general3A_31 = arith.constant dense<0.000000e+00> : vector<1x256xf32>
    %dot_general3A_32 = tpu.matmul %slice3A_26, %get3A_30, %dot_general3A_31 {dimension_numbers = #tpu.dot_dimension_numbers<[1], [0], [0], [1], [0, 0, 1, 1], [], []>, transpose_lhs_hint = false} : vector<1x256xf32>, vector<256x256xf32>, vector<1x256xf32> -> vector<1x256xf32>
    %get3A_33 = arith.constant 0 : index
    %get3A_34 = arith.constant 0 : index
    %get3A_35 = vector.load %arg9[%get3A_33, %get3A_34] : memref<1x256xf32, #tpu.memory_space<vmem>>, vector<1x256xf32>
    %mul3A = vector.broadcast %slice3A_27 : vector<1x1xf32> to vector<1x256xf32>
    %mul3A_36 = arith.mulf %mul3A, %get3A_35 : vector<1x256xf32>
    %add3A_37 = arith.addf %dot_general3A_32, %mul3A_36 : vector<1x256xf32>
    %logistic3A = arith.negf %add3A_37 : vector<1x256xf32>
    %logistic3A_38 = math.exp %logistic3A : vector<1x256xf32>
    %logistic3A_39 = arith.constant 1.000000e+00 : f32
    %logistic3A_40 = vector.broadcast %logistic3A_39 : f32 to vector<1x256xf32>
    %logistic3A_41 = arith.addf %logistic3A_40, %logistic3A_38 : vector<1x256xf32>
    %logistic3A_42 = arith.divf %logistic3A_40, %logistic3A_41 : vector<1x256xf32>
    %get3A_43 = arith.constant 0 : index
    %get3A_44 = arith.constant 0 : index
    %get3A_45 = arith.constant 0 : index
    %get3A_46 = vector.load %arg2[%get3A_43, %get3A_44, %get3A_45] : memref<4x1x1000xf32, #tpu.memory_space<vmem>>, vector<1x1x1000xf32>
    %get3A_47 = vector.shape_cast %get3A_46 : vector<1x1x1000xf32> to vector<1x1000xf32>
    %get3A_48 = arith.constant 0 : index
    %get3A_49 = arith.constant 0 : index
    %get3A_50 = arith.constant 0 : index
    %get3A_51 = vector.load %arg3[%get3A_48, %get3A_49, %get3A_50] : memref<4x1x1000xf32, #tpu.memory_space<vmem>>, vector<1x1x1000xf32>
    %get3A_52 = vector.shape_cast %get3A_51 : vector<1x1x1000xf32> to vector<1x1000xf32>
    %neg3A = arith.constant 0.000000e+00 : f32
    %neg3A_53 = vector.broadcast %neg3A : f32 to vector<1x1xf32>
    %neg3A_54 = arith.subf %neg3A_53, %slice3A : vector<1x1xf32>
    %mul3A_55 = vector.broadcast %neg3A_54 : vector<1x1xf32> to vector<1x1000xf32>
    %mul3A_56 = arith.mulf %mul3A_55, %get3A_47 : vector<1x1000xf32>
    %add3A_57 = arith.addf %mul3A_56, %get3A_52 : vector<1x1000xf32>
    %reduce_max3A = arith.constant dense<0xFF800000> : vector<1xf32>
    %reduce_max3A_58 = vector.multi_reduction <maximumf>, %add3A_57, %reduce_max3A [1] : vector<1x1000xf32> to vector<1xf32>
    %broadcast_in_dim3A = vector.shape_cast %reduce_max3A_58 : vector<1xf32> to vector<1x1xf32>
    %sub3A = vector.broadcast %broadcast_in_dim3A : vector<1x1xf32> to vector<1x1000xf32>
    %sub3A_59 = arith.subf %add3A_57, %sub3A : vector<1x1000xf32>
    %exp3A = math.exp %sub3A_59 : vector<1x1000xf32>
    %reduce_max3A_60 = arith.constant dense<0xFF800000> : vector<256xf32>
    %reduce_max3A_61 = vector.multi_reduction <maximumf>, %slice3A_24, %reduce_max3A_60 [0] : vector<1000x256xf32> to vector<256xf32>
    %broadcast_in_dim3A_62 = vector.shape_cast %reduce_max3A_61 : vector<256xf32> to vector<1x256xf32>
    %sub3A_63 = vector.broadcast %broadcast_in_dim3A_62 : vector<1x256xf32> to vector<1000x256xf32>
    %sub3A_64 = arith.subf %slice3A_24, %sub3A_63 : vector<1000x256xf32>
    %exp3A_65 = math.exp %sub3A_64 : vector<1000x256xf32>
    %mul3A_66 = arith.mulf %exp3A_65, %slice3A_25 : vector<1000x256xf32>
    %dot_general3A_67 = arith.constant dense<0.000000e+00> : vector<1x256xf32>
    %dot_general3A_68 = tpu.matmul %exp3A, %mul3A_66, %dot_general3A_67 {dimension_numbers = #tpu.dot_dimension_numbers<[1], [0], [0], [1], [0, 0, 1, 1], [], []>, transpose_lhs_hint = false} : vector<1x1000xf32>, vector<1000x256xf32>, vector<1x256xf32> -> vector<1x256xf32>
    %dot_general3A_69 = arith.constant dense<0.000000e+00> : vector<1x256xf32>
    %dot_general3A_70 = tpu.matmul %exp3A, %exp3A_65, %dot_general3A_69 {dimension_numbers = #tpu.dot_dimension_numbers<[1], [0], [0], [1], [0, 0, 1, 1], [], []>, transpose_lhs_hint = false} : vector<1x1000xf32>, vector<1000x256xf32>, vector<1x256xf32> -> vector<1x256xf32>
    %div3A = arith.divf %dot_general3A_68, %dot_general3A_70 : vector<1x256xf32>
    %mul3A_71 = arith.mulf %logistic3A_42, %div3A : vector<1x256xf32>
    %dot_general3A_72 = arith.constant dense<0.000000e+00> : vector<1x1000xf32>
    %dot_general3A_73 = tpu.matmul %mul3A_71, %slice3A_18, %dot_general3A_72 {dimension_numbers = #tpu.dot_dimension_numbers<[1], [1], [0], [0], [0, 0, 1, 0], [], []>, transpose_lhs_hint = false} : vector<1x256xf32>, vector<1000x256xf32>, vector<1x1000xf32> -> vector<1x1000xf32>
    %div3A_74 = arith.constant 1.600000e+01 : f32
    %div3A_75 = vector.broadcast %div3A_74 : f32 to vector<1x1000xf32>
    %div3A_76 = arith.divf %dot_general3A_73, %div3A_75 : vector<1x1000xf32>
    %tanh3A = math.tanh %div3A_76 : vector<1x1000xf32>
    %mul3A_77 = arith.constant 1.000000e+01 : f32
    %mul3A_78 = vector.broadcast %mul3A_77 : f32 to vector<1x1000xf32>
    %mul3A_79 = arith.mulf %mul3A_78, %tanh3A : vector<1x1000xf32>
    %mul3A_80 = vector.broadcast %slice3A_10 : vector<1x1xf32> to vector<1x1000xf32>
    %mul3A_81 = arith.mulf %mul3A_80, %get3A_47 : vector<1x1000xf32>
    %sub3A_82 = arith.subf %mul3A_79, %mul3A_81 : vector<1x1000xf32>
    %add3A_83 = arith.addf %sub3A_82, %get3A_52 : vector<1x1000xf32>
    %reduce_max3A_84 = arith.constant dense<0xFF800000> : vector<1xf32>
    %reduce_max3A_85 = vector.multi_reduction <maximumf>, %add3A_83, %reduce_max3A_84 [1] : vector<1x1000xf32> to vector<1xf32>
    %broadcast_in_dim3A_86 = vector.shape_cast %reduce_max3A_85 : vector<1xf32> to vector<1x1xf32>
    %sub3A_87 = vector.broadcast %broadcast_in_dim3A_86 : vector<1x1xf32> to vector<1x1000xf32>
    %sub3A_88 = arith.subf %add3A_83, %sub3A_87 : vector<1x1000xf32>
    %exp3A_89 = math.exp %sub3A_88 : vector<1x1000xf32>
    %reduce_sum3A = arith.constant dense<0.000000e+00> : vector<1xf32>
    %reduce_sum3A_90 = vector.multi_reduction <add>, %exp3A_89, %reduce_sum3A [1] : vector<1x1000xf32> to vector<1xf32>
    %broadcast_in_dim3A_91 = vector.shape_cast %reduce_sum3A_90 : vector<1xf32> to vector<1x1xf32>
    %div3A_92 = vector.broadcast %broadcast_in_dim3A_91 : vector<1x1xf32> to vector<1x1000xf32>
    %div3A_93 = arith.divf %exp3A_89, %div3A_92 : vector<1x1000xf32>
    %swap3A = arith.constant 0 : index
    %swap3A_94 = arith.constant 0 : index
    %swap3A_95 = arith.constant 0 : index
    %swap3A_96 = vector.load %arg11[%swap3A, %swap3A_94, %swap3A_95] : memref<4x1x1000xf32, #tpu.memory_space<vmem>>, vector<1x1x1000xf32>
    %swap3A_97 = vector.shape_cast %swap3A_96 : vector<1x1x1000xf32> to vector<1x1000xf32>
    %swap3A_98 = vector.shape_cast %div3A_93 : vector<1x1000xf32> to vector<1x1x1000xf32>
    tpu.vector_store %arg11[%swap3A, %swap3A_94, %swap3A_95], %swap3A_98 {strides = array<i32>} : memref<4x1x1000xf32, #tpu.memory_space<vmem>>, vector<1x1x1000xf32>,
    %reduce_max3A_99 = arith.constant dense<0xFF800000> : vector<1xf32>
    %reduce_max3A_100 = vector.multi_reduction <maximumf>, %div3A_93, %reduce_max3A_99 [1] : vector<1x1000xf32> to vector<1xf32>
    %broadcast_in_dim3A_101 = vector.shape_cast %reduce_max3A_100 : vector<1xf32> to vector<1x1xf32>
    %iota3A = tpu.iota {dimensions = array<i32: 1>} : vector<1x1000xi32>
    %eq3A = vector.broadcast %broadcast_in_dim3A_101 : vector<1x1xf32> to vector<1x1000xf32>
    %eq3A_102 = arith.cmpf oeq, %div3A_93, %eq3A : vector<1x1000xf32>
    %jit3A = arith.constant 1000 : i32
    %broadcast_in_dim3A_103 = vector.broadcast %jit3A : i32 to vector<1x1000xi32>
    %select_n3A = arith.select %eq3A_102, %iota3A, %broadcast_in_dim3A_103 : vector<1x1000xi1>, vector<1x1000xi32>
    %reduce_min3A = arith.constant dense<2147483647> : vector<1xi32>
    %reduce_min3A_104 = vector.multi_reduction <minsi>, %select_n3A, %reduce_min3A [1] : vector<1x1000xi32> to vector<1xi32>
    %broadcast_in_dim3A_105 = vector.shape_cast %reduce_min3A_104 : vector<1xi32> to vector<1x1xi32>
    %eq3A_106 = vector.broadcast %broadcast_in_dim3A_105 : vector<1x1xi32> to vector<1x1000xi32>
    %eq3A_107 = arith.cmpi eq, %iota3A, %eq3A_106 : vector<1x1000xi32>
    %get3A_108 = arith.constant 0 : index
    %get3A_109 = arith.constant 0 : index
    %get3A_110 = arith.constant 0 : index
    %get3A_111 = vector.load %arg4[%get3A_108, %get3A_109, %get3A_110] : memref<4x1x1000xi32, #tpu.memory_space<vmem>>, vector<1x1x1000xi32>
    %get3A_112 = vector.shape_cast %get3A_111 : vector<1x1x1000xi32> to vector<1x1000xi32>
    %jit3A_113 = arith.constant 0 : i32
    %broadcast_in_dim3A_114 = vector.broadcast %jit3A_113 : i32 to vector<1x1000xi32>
    %select_n3A_115 = arith.select %eq3A_107, %get3A_112, %broadcast_in_dim3A_114 : vector<1x1000xi1>, vector<1x1000xi32>
    %reduce_sum3A_116 = arith.constant dense<0> : vector<1xi32>
    %reduce_sum3A_117 = vector.multi_reduction <add>, %select_n3A_115, %reduce_sum3A_116 [1] : vector<1x1000xi32> to vector<1xi32>
    %broadcast_in_dim3A_118 = vector.shape_cast %reduce_sum3A_117 : vector<1xi32> to vector<1x1xi32>
    %broadcast_in_dim3A_119 = vector.shape_cast %broadcast_in_dim3A_118 : vector<1x1xi32> to vector<1x1xi32>
    %broadcast_in_dim3A_120 = vector.broadcast %broadcast_in_dim3A_119 : vector<1x1xi32> to vector<1x128xi32>
    %swap3A_121 = arith.constant 0 : index
    %swap3A_122 = arith.constant 0 : index
    %swap3A_123 = arith.constant 0 : index
    %swap3A_124 = vector.load %arg12[%swap3A_121, %swap3A_122, %swap3A_123] : memref<4x1x128xi32, #tpu.memory_space<vmem>>, vector<1x1x128xi32>
    %swap3A_125 = vector.shape_cast %swap3A_124 : vector<1x1x128xi32> to vector<1x128xi32>
    %swap3A_126 = vector.shape_cast %broadcast_in_dim3A_120 : vector<1x128xi32> to vector<1x1x128xi32>
    tpu.vector_store %arg12[%swap3A_121, %swap3A_122, %swap3A_123], %swap3A_126 {strides = array<i32>} : memref<4x1x128xi32, #tpu.memory_space<vmem>>, vector<1x1x128xi32>,
    %broadcast_in_dim3A_127 = vector.shape_cast %broadcast_in_dim3A_101 : vector<1x1xf32> to vector<1x1xf32>
    %broadcast_in_dim3A_128 = vector.broadcast %broadcast_in_dim3A_127 : vector<1x1xf32> to vector<1x128xf32>
    %swap3A_129 = arith.constant 0 : index
    %swap3A_130 = arith.constant 0 : index
    %swap3A_131 = arith.constant 0 : index
    %swap3A_132 = vector.load %arg13[%swap3A_129, %swap3A_130, %swap3A_131] : memref<4x1x128xf32, #tpu.memory_space<vmem>>, vector<1x1x128xf32>
    %swap3A_133 = vector.shape_cast %swap3A_132 : vector<1x1x128xf32> to vector<1x128xf32>
    %swap3A_134 = vector.shape_cast %broadcast_in_dim3A_128 : vector<1x128xf32> to vector<1x1x128xf32>
    tpu.vector_store %arg13[%swap3A_129, %swap3A_130, %swap3A_131], %swap3A_134 {strides = array<i32>} : memref<4x1x128xf32, #tpu.memory_space<vmem>>, vector<1x1x128xf32>,
    %get3A_135 = arith.constant 1 : index
    %get3A_136 = arith.constant 0 : index
    %get3A_137 = arith.constant 0 : index
    %get3A_138 = vector.load %arg1[%get3A_135, %get3A_136, %get3A_137] : memref<4x1024x8xf32, #tpu.memory_space<vmem>>, vector<1x1024x8xf32>
    %get3A_139 = vector.shape_cast %get3A_138 : vector<1x1024x8xf32> to vector<1024x8xf32>
    %dot_general3A_140 = arith.constant dense<0.000000e+00> : vector<1024x256xf32>
    %dot_general3A_141 = tpu.matmul %get3A_139, %get3A_1, %dot_general3A_140 {dimension_numbers = #tpu.dot_dimension_numbers<[1], [0], [0], [1], [0, 0, 1, 1], [], []>, transpose_lhs_hint = false} : vector<1024x8xf32>, vector<8x256xf32>, vector<1024x256xf32> -> vector<1024x256xf32>
    %add3A_142 = vector.broadcast %get3A_4 : vector<1x256xf32> to vector<1024x256xf32>
    %add3A_143 = arith.addf %dot_general3A_141, %add3A_142 : vector<1024x256xf32>
    %slice3A_144 = vector.extract_strided_slice %add3A_143 {offsets = [0, 0], sizes = [1000, 256], strides = [1, 1]} : vector<1024x256xf32> to vector<1000x256xf32>
    %convert_element_type3A_145 = arith.truncf %slice3A_144 : vector<1000x256xf32> to vector<1000x256xbf16>
    %get3A_146 = arith.constant 0 : index
    %get3A_147 = arith.constant 0 : index
    %get3A_148 = vector.load %arg10[%get3A_146, %get3A_147] : memref<256x512xbf16, #tpu.memory_space<vmem>>, vector<256x512xbf16>
    %dot_general3A_149 = arith.constant dense<0.000000e+00> : vector<1000x512xf32>
    %dot_general3A_150 = tpu.matmul %convert_element_type3A_145, %get3A_148, %dot_general3A_149 {dimension_numbers = #tpu.dot_dimension_numbers<[1], [0], [0], [1], [0, 0, 1, 1], [], []>, transpose_lhs_hint = false} : vector<1000x256xbf16>, vector<256x512xbf16>, vector<1000x512xf32> -> vector<1000x512xf32>
    %slice3A_151 = vector.extract_strided_slice %dot_general3A_150 {offsets = [0, 0], sizes = [1000, 256], strides = [1, 1]} : vector<1000x512xf32> to vector<1000x256xf32>
    %slice3A_152 = vector.extract_strided_slice %dot_general3A_150 {offsets = [0, 256], sizes = [1000, 256], strides = [1, 1]} : vector<1000x512xf32> to vector<1000x256xf32>
    %slice3A_153 = vector.extract_strided_slice %add3A_143 {offsets = [1000, 0], sizes = [1, 256], strides = [1, 1]} : vector<1024x256xf32> to vector<1x256xf32>
    %slice3A_154 = vector.extract_strided_slice %get3A_139 {offsets = [1000, 3], sizes = [1, 1], strides = [1, 1]} : vector<1024x8xf32> to vector<1x1xf32>
    %get3A_155 = arith.constant 0 : index
    %get3A_156 = arith.constant 0 : index
    %get3A_157 = vector.load %arg8[%get3A_155, %get3A_156] : memref<256x256xf32, #tpu.memory_space<vmem>>, vector<256x256xf32>
    %dot_general3A_158 = arith.constant dense<0.000000e+00> : vector<1x256xf32>
    %dot_general3A_159 = tpu.matmul %slice3A_153, %get3A_157, %dot_general3A_158 {dimension_numbers = #tpu.dot_dimension_numbers<[1], [0], [0], [1], [0, 0, 1, 1], [], []>, transpose_lhs_hint = false} : vector<1x256xf32>, vector<256x256xf32>, vector<1x256xf32> -> vector<1x256xf32>
    %get3A_160 = arith.constant 0 : index
    %get3A_161 = arith.constant 0 : index
    %get3A_162 = vector.load %arg9[%get3A_160, %get3A_161] : memref<1x256xf32, #tpu.memory_space<vmem>>, vector<1x256xf32>
    %mul3A_163 = vector.broadcast %slice3A_154 : vector<1x1xf32> to vector<1x256xf32>
    %mul3A_164 = arith.mulf %mul3A_163, %get3A_162 : vector<1x256xf32>
    %add3A_165 = arith.addf %dot_general3A_159, %mul3A_164 : vector<1x256xf32>
    %logistic3A_166 = arith.negf %add3A_165 : vector<1x256xf32>
    %logistic3A_167 = math.exp %logistic3A_166 : vector<1x256xf32>
    %logistic3A_168 = arith.constant 1.000000e+00 : f32
    %logistic3A_169 = vector.broadcast %logistic3A_168 : f32 to vector<1x256xf32>
    %logistic3A_170 = arith.addf %logistic3A_169, %logistic3A_167 : vector<1x256xf32>
    %logistic3A_171 = arith.divf %logistic3A_169, %logistic3A_170 : vector<1x256xf32>
    %get3A_172 = arith.constant 1 : index
    %get3A_173 = arith.constant 0 : index
    %get3A_174 = arith.constant 0 : index
    %get3A_175 = vector.load %arg2[%get3A_172, %get3A_173, %get3A_174] : memref<4x1x1000xf32, #tpu.memory_space<vmem>>, vector<1x1x1000xf32>
    %get3A_176 = vector.shape_cast %get3A_175 : vector<1x1x1000xf32> to vector<1x1000xf32>
    %get3A_177 = arith.constant 1 : index
    %get3A_178 = arith.constant 0 : index
    %get3A_179 = arith.constant 0 : index
    %get3A_180 = vector.load %arg3[%get3A_177, %get3A_178, %get3A_179] : memref<4x1x1000xf32, #tpu.memory_space<vmem>>, vector<1x1x1000xf32>
    %get3A_181 = vector.shape_cast %get3A_180 : vector<1x1x1000xf32> to vector<1x1000xf32>
    %neg3A_182 = arith.constant 0.000000e+00 : f32
    %neg3A_183 = vector.broadcast %neg3A_182 : f32 to vector<1x1xf32>
    %neg3A_184 = arith.subf %neg3A_183, %slice3A : vector<1x1xf32>
    %mul3A_185 = vector.broadcast %neg3A_184 : vector<1x1xf32> to vector<1x1000xf32>
    %mul3A_186 = arith.mulf %mul3A_185, %get3A_176 : vector<1x1000xf32>
    %add3A_187 = arith.addf %mul3A_186, %get3A_181 : vector<1x1000xf32>
    %reduce_max3A_188 = arith.constant dense<0xFF800000> : vector<1xf32>
    %reduce_max3A_189 = vector.multi_reduction <maximumf>, %add3A_187, %reduce_max3A_188 [1] : vector<1x1000xf32> to vector<1xf32>
    %broadcast_in_dim3A_190 = vector.shape_cast %reduce_max3A_189 : vector<1xf32> to vector<1x1xf32>
    %sub3A_191 = vector.broadcast %broadcast_in_dim3A_190 : vector<1x1xf32> to vector<1x1000xf32>
    %sub3A_192 = arith.subf %add3A_187, %sub3A_191 : vector<1x1000xf32>
    %exp3A_193 = math.exp %sub3A_192 : vector<1x1000xf32>
    %reduce_max3A_194 = arith.constant dense<0xFF800000> : vector<256xf32>
    %reduce_max3A_195 = vector.multi_reduction <maximumf>, %slice3A_151, %reduce_max3A_194 [0] : vector<1000x256xf32> to vector<256xf32>
    %broadcast_in_dim3A_196 = vector.shape_cast %reduce_max3A_195 : vector<256xf32> to vector<1x256xf32>
    %sub3A_197 = vector.broadcast %broadcast_in_dim3A_196 : vector<1x256xf32> to vector<1000x256xf32>
    %sub3A_198 = arith.subf %slice3A_151, %sub3A_197 : vector<1000x256xf32>
    %exp3A_199 = math.exp %sub3A_198 : vector<1000x256xf32>
    %mul3A_200 = arith.mulf %exp3A_199, %slice3A_152 : vector<1000x256xf32>
    %dot_general3A_201 = arith.constant dense<0.000000e+00> : vector<1x256xf32>
    %dot_general3A_202 = tpu.matmul %exp3A_193, %mul3A_200, %dot_general3A_201 {dimension_numbers = #tpu.dot_dimension_numbers<[1], [0], [0], [1], [0, 0, 1, 1], [], []>, transpose_lhs_hint = false} : vector<1x1000xf32>, vector<1000x256xf32>, vector<1x256xf32> -> vector<1x256xf32>
    %dot_general3A_203 = arith.constant dense<0.000000e+00> : vector<1x256xf32>
    %dot_general3A_204 = tpu.matmul %exp3A_193, %exp3A_199, %dot_general3A_203 {dimension_numbers = #tpu.dot_dimension_numbers<[1], [0], [0], [1], [0, 0, 1, 1], [], []>, transpose_lhs_hint = false} : vector<1x1000xf32>, vector<1000x256xf32>, vector<1x256xf32> -> vector<1x256xf32>
    %div3A_205 = arith.divf %dot_general3A_202, %dot_general3A_204 : vector<1x256xf32>
    %mul3A_206 = arith.mulf %logistic3A_171, %div3A_205 : vector<1x256xf32>
    %dot_general3A_207 = arith.constant dense<0.000000e+00> : vector<1x1000xf32>
    %dot_general3A_208 = tpu.matmul %mul3A_206, %slice3A_144, %dot_general3A_207 {dimension_numbers = #tpu.dot_dimension_numbers<[1], [1], [0], [0], [0, 0, 1, 0], [], []>, transpose_lhs_hint = false} : vector<1x256xf32>, vector<1000x256xf32>, vector<1x1000xf32> -> vector<1x1000xf32>
    %div3A_209 = arith.constant 1.600000e+01 : f32
    %div3A_210 = vector.broadcast %div3A_209 : f32 to vector<1x1000xf32>
    %div3A_211 = arith.divf %dot_general3A_208, %div3A_210 : vector<1x1000xf32>
    %tanh3A_212 = math.tanh %div3A_211 : vector<1x1000xf32>
    %mul3A_213 = arith.constant 1.000000e+01 : f32
    %mul3A_214 = vector.broadcast %mul3A_213 : f32 to vector<1x1000xf32>
    %mul3A_215 = arith.mulf %mul3A_214, %tanh3A_212 : vector<1x1000xf32>
    %mul3A_216 = vector.broadcast %slice3A_10 : vector<1x1xf32> to vector<1x1000xf32>
    %mul3A_217 = arith.mulf %mul3A_216, %get3A_176 : vector<1x1000xf32>
    %sub3A_218 = arith.subf %mul3A_215, %mul3A_217 : vector<1x1000xf32>
    %add3A_219 = arith.addf %sub3A_218, %get3A_181 : vector<1x1000xf32>
    %reduce_max3A_220 = arith.constant dense<0xFF800000> : vector<1xf32>
    %reduce_max3A_221 = vector.multi_reduction <maximumf>, %add3A_219, %reduce_max3A_220 [1] : vector<1x1000xf32> to vector<1xf32>
    %broadcast_in_dim3A_222 = vector.shape_cast %reduce_max3A_221 : vector<1xf32> to vector<1x1xf32>
    %sub3A_223 = vector.broadcast %broadcast_in_dim3A_222 : vector<1x1xf32> to vector<1x1000xf32>
    %sub3A_224 = arith.subf %add3A_219, %sub3A_223 : vector<1x1000xf32>
    %exp3A_225 = math.exp %sub3A_224 : vector<1x1000xf32>
    %reduce_sum3A_226 = arith.constant dense<0.000000e+00> : vector<1xf32>
    %reduce_sum3A_227 = vector.multi_reduction <add>, %exp3A_225, %reduce_sum3A_226 [1] : vector<1x1000xf32> to vector<1xf32>
    %broadcast_in_dim3A_228 = vector.shape_cast %reduce_sum3A_227 : vector<1xf32> to vector<1x1xf32>
    %div3A_229 = vector.broadcast %broadcast_in_dim3A_228 : vector<1x1xf32> to vector<1x1000xf32>
    %div3A_230 = arith.divf %exp3A_225, %div3A_229 : vector<1x1000xf32>
    %swap3A_231 = arith.constant 1 : index
    %swap3A_232 = arith.constant 0 : index
    %swap3A_233 = arith.constant 0 : index
    %swap3A_234 = vector.load %arg11[%swap3A_231, %swap3A_232, %swap3A_233] : memref<4x1x1000xf32, #tpu.memory_space<vmem>>, vector<1x1x1000xf32>
    %swap3A_235 = vector.shape_cast %swap3A_234 : vector<1x1x1000xf32> to vector<1x1000xf32>
    %swap3A_236 = vector.shape_cast %div3A_230 : vector<1x1000xf32> to vector<1x1x1000xf32>
    tpu.vector_store %arg11[%swap3A_231, %swap3A_232, %swap3A_233], %swap3A_236 {strides = array<i32>} : memref<4x1x1000xf32, #tpu.memory_space<vmem>>, vector<1x1x1000xf32>,
    %reduce_max3A_237 = arith.constant dense<0xFF800000> : vector<1xf32>
    %reduce_max3A_238 = vector.multi_reduction <maximumf>, %div3A_230, %reduce_max3A_237 [1] : vector<1x1000xf32> to vector<1xf32>
    %broadcast_in_dim3A_239 = vector.shape_cast %reduce_max3A_238 : vector<1xf32> to vector<1x1xf32>
    %iota3A_240 = tpu.iota {dimensions = array<i32: 1>} : vector<1x1000xi32>
    %eq3A_241 = vector.broadcast %broadcast_in_dim3A_239 : vector<1x1xf32> to vector<1x1000xf32>
    %eq3A_242 = arith.cmpf oeq, %div3A_230, %eq3A_241 : vector<1x1000xf32>
    %jit3A_243 = arith.constant 1000 : i32
    %broadcast_in_dim3A_244 = vector.broadcast %jit3A_243 : i32 to vector<1x1000xi32>
    %select_n3A_245 = arith.select %eq3A_242, %iota3A_240, %broadcast_in_dim3A_244 : vector<1x1000xi1>, vector<1x1000xi32>
    %reduce_min3A_246 = arith.constant dense<2147483647> : vector<1xi32>
    %reduce_min3A_247 = vector.multi_reduction <minsi>, %select_n3A_245, %reduce_min3A_246 [1] : vector<1x1000xi32> to vector<1xi32>
    %broadcast_in_dim3A_248 = vector.shape_cast %reduce_min3A_247 : vector<1xi32> to vector<1x1xi32>
    %eq3A_249 = vector.broadcast %broadcast_in_dim3A_248 : vector<1x1xi32> to vector<1x1000xi32>
    %eq3A_250 = arith.cmpi eq, %iota3A_240, %eq3A_249 : vector<1x1000xi32>
    %get3A_251 = arith.constant 1 : index
    %get3A_252 = arith.constant 0 : index
    %get3A_253 = arith.constant 0 : index
    %get3A_254 = vector.load %arg4[%get3A_251, %get3A_252, %get3A_253] : memref<4x1x1000xi32, #tpu.memory_space<vmem>>, vector<1x1x1000xi32>
    %get3A_255 = vector.shape_cast %get3A_254 : vector<1x1x1000xi32> to vector<1x1000xi32>
    %jit3A_256 = arith.constant 0 : i32
    %broadcast_in_dim3A_257 = vector.broadcast %jit3A_256 : i32 to vector<1x1000xi32>
    %select_n3A_258 = arith.select %eq3A_250, %get3A_255, %broadcast_in_dim3A_257 : vector<1x1000xi1>, vector<1x1000xi32>
    %reduce_sum3A_259 = arith.constant dense<0> : vector<1xi32>
    %reduce_sum3A_260 = vector.multi_reduction <add>, %select_n3A_258, %reduce_sum3A_259 [1] : vector<1x1000xi32> to vector<1xi32>
    %broadcast_in_dim3A_261 = vector.shape_cast %reduce_sum3A_260 : vector<1xi32> to vector<1x1xi32>
    %broadcast_in_dim3A_262 = vector.shape_cast %broadcast_in_dim3A_261 : vector<1x1xi32> to vector<1x1xi32>
    %broadcast_in_dim3A_263 = vector.broadcast %broadcast_in_dim3A_262 : vector<1x1xi32> to vector<1x128xi32>
    %swap3A_264 = arith.constant 1 : index
    %swap3A_265 = arith.constant 0 : index
    %swap3A_266 = arith.constant 0 : index
    %swap3A_267 = vector.load %arg12[%swap3A_264, %swap3A_265, %swap3A_266] : memref<4x1x128xi32, #tpu.memory_space<vmem>>, vector<1x1x128xi32>
    %swap3A_268 = vector.shape_cast %swap3A_267 : vector<1x1x128xi32> to vector<1x128xi32>
    %swap3A_269 = vector.shape_cast %broadcast_in_dim3A_263 : vector<1x128xi32> to vector<1x1x128xi32>
    tpu.vector_store %arg12[%swap3A_264, %swap3A_265, %swap3A_266], %swap3A_269 {strides = array<i32>} : memref<4x1x128xi32, #tpu.memory_space<vmem>>, vector<1x1x128xi32>,
    %broadcast_in_dim3A_270 = vector.shape_cast %broadcast_in_dim3A_239 : vector<1x1xf32> to vector<1x1xf32>
    %broadcast_in_dim3A_271 = vector.broadcast %broadcast_in_dim3A_270 : vector<1x1xf32> to vector<1x128xf32>
    %swap3A_272 = arith.constant 1 : index
    %swap3A_273 = arith.constant 0 : index
    %swap3A_274 = arith.constant 0 : index
    %swap3A_275 = vector.load %arg13[%swap3A_272, %swap3A_273, %swap3A_274] : memref<4x1x128xf32, #tpu.memory_space<vmem>>, vector<1x1x128xf32>
    %swap3A_276 = vector.shape_cast %swap3A_275 : vector<1x1x128xf32> to vector<1x128xf32>
    %swap3A_277 = vector.shape_cast %broadcast_in_dim3A_271 : vector<1x128xf32> to vector<1x1x128xf32>
    tpu.vector_store %arg13[%swap3A_272, %swap3A_273, %swap3A_274], %swap3A_277 {strides = array<i32>} : memref<4x1x128xf32, #tpu.memory_space<vmem>>, vector<1x1x128xf32>,
    %get3A_278 = arith.constant 2 : index
    %get3A_279 = arith.constant 0 : index
    %get3A_280 = arith.constant 0 : index
    %get3A_281 = vector.load %arg1[%get3A_278, %get3A_279, %get3A_280] : memref<4x1024x8xf32, #tpu.memory_space<vmem>>, vector<1x1024x8xf32>
    %get3A_282 = vector.shape_cast %get3A_281 : vector<1x1024x8xf32> to vector<1024x8xf32>
    %dot_general3A_283 = arith.constant dense<0.000000e+00> : vector<1024x256xf32>
    %dot_general3A_284 = tpu.matmul %get3A_282, %get3A_1, %dot_general3A_283 {dimension_numbers = #tpu.dot_dimension_numbers<[1], [0], [0], [1], [0, 0, 1, 1], [], []>, transpose_lhs_hint = false} : vector<1024x8xf32>, vector<8x256xf32>, vector<1024x256xf32> -> vector<1024x256xf32>
    %add3A_285 = vector.broadcast %get3A_4 : vector<1x256xf32> to vector<1024x256xf32>
    %add3A_286 = arith.addf %dot_general3A_284, %add3A_285 : vector<1024x256xf32>
    %slice3A_287 = vector.extract_strided_slice %add3A_286 {offsets = [0, 0], sizes = [1000, 256], strides = [1, 1]} : vector<1024x256xf32> to vector<1000x256xf32>
    %convert_element_type3A_288 = arith.truncf %slice3A_287 : vector<1000x256xf32> to vector<1000x256xbf16>
    %get3A_289 = arith.constant 0 : index
    %get3A_290 = arith.constant 0 : index
    %get3A_291 = vector.load %arg10[%get3A_289, %get3A_290] : memref<256x512xbf16, #tpu.memory_space<vmem>>, vector<256x512xbf16>
    %dot_general3A_292 = arith.constant dense<0.000000e+00> : vector<1000x512xf32>
    %dot_general3A_293 = tpu.matmul %convert_element_type3A_288, %get3A_291, %dot_general3A_292 {dimension_numbers = #tpu.dot_dimension_numbers<[1], [0], [0], [1], [0, 0, 1, 1], [], []>, transpose_lhs_hint = false} : vector<1000x256xbf16>, vector<256x512xbf16>, vector<1000x512xf32> -> vector<1000x512xf32>
    %slice3A_294 = vector.extract_strided_slice %dot_general3A_293 {offsets = [0, 0], sizes = [1000, 256], strides = [1, 1]} : vector<1000x512xf32> to vector<1000x256xf32>
    %slice3A_295 = vector.extract_strided_slice %dot_general3A_293 {offsets = [0, 256], sizes = [1000, 256], strides = [1, 1]} : vector<1000x512xf32> to vector<1000x256xf32>
    %slice3A_296 = vector.extract_strided_slice %add3A_286 {offsets = [1000, 0], sizes = [1, 256], strides = [1, 1]} : vector<1024x256xf32> to vector<1x256xf32>
    %slice3A_297 = vector.extract_strided_slice %get3A_282 {offsets = [1000, 3], sizes = [1, 1], strides = [1, 1]} : vector<1024x8xf32> to vector<1x1xf32>
    %get3A_298 = arith.constant 0 : index
    %get3A_299 = arith.constant 0 : index
    %get3A_300 = vector.load %arg8[%get3A_298, %get3A_299] : memref<256x256xf32, #tpu.memory_space<vmem>>, vector<256x256xf32>
    %dot_general3A_301 = arith.constant dense<0.000000e+00> : vector<1x256xf32>
    %dot_general3A_302 = tpu.matmul %slice3A_296, %get3A_300, %dot_general3A_301 {dimension_numbers = #tpu.dot_dimension_numbers<[1], [0], [0], [1], [0, 0, 1, 1], [], []>, transpose_lhs_hint = false} : vector<1x256xf32>, vector<256x256xf32>, vector<1x256xf32> -> vector<1x256xf32>
    %get3A_303 = arith.constant 0 : index
    %get3A_304 = arith.constant 0 : index
    %get3A_305 = vector.load %arg9[%get3A_303, %get3A_304] : memref<1x256xf32, #tpu.memory_space<vmem>>, vector<1x256xf32>
    %mul3A_306 = vector.broadcast %slice3A_297 : vector<1x1xf32> to vector<1x256xf32>
    %mul3A_307 = arith.mulf %mul3A_306, %get3A_305 : vector<1x256xf32>
    %add3A_308 = arith.addf %dot_general3A_302, %mul3A_307 : vector<1x256xf32>
    %logistic3A_309 = arith.negf %add3A_308 : vector<1x256xf32>
    %logistic3A_310 = math.exp %logistic3A_309 : vector<1x256xf32>
    %logistic3A_311 = arith.constant 1.000000e+00 : f32
    %logistic3A_312 = vector.broadcast %logistic3A_311 : f32 to vector<1x256xf32>
    %logistic3A_313 = arith.addf %logistic3A_312, %logistic3A_310 : vector<1x256xf32>
    %logistic3A_314 = arith.divf %logistic3A_312, %logistic3A_313 : vector<1x256xf32>
    %get3A_315 = arith.constant 2 : index
    %get3A_316 = arith.constant 0 : index
    %get3A_317 = arith.constant 0 : index
    %get3A_318 = vector.load %arg2[%get3A_315, %get3A_316, %get3A_317] : memref<4x1x1000xf32, #tpu.memory_space<vmem>>, vector<1x1x1000xf32>
    %get3A_319 = vector.shape_cast %get3A_318 : vector<1x1x1000xf32> to vector<1x1000xf32>
    %get3A_320 = arith.constant 2 : index
    %get3A_321 = arith.constant 0 : index
    %get3A_322 = arith.constant 0 : index
    %get3A_323 = vector.load %arg3[%get3A_320, %get3A_321, %get3A_322] : memref<4x1x1000xf32, #tpu.memory_space<vmem>>, vector<1x1x1000xf32>
    %get3A_324 = vector.shape_cast %get3A_323 : vector<1x1x1000xf32> to vector<1x1000xf32>
    %neg3A_325 = arith.constant 0.000000e+00 : f32
    %neg3A_326 = vector.broadcast %neg3A_325 : f32 to vector<1x1xf32>
    %neg3A_327 = arith.subf %neg3A_326, %slice3A : vector<1x1xf32>
    %mul3A_328 = vector.broadcast %neg3A_327 : vector<1x1xf32> to vector<1x1000xf32>
    %mul3A_329 = arith.mulf %mul3A_328, %get3A_319 : vector<1x1000xf32>
    %add3A_330 = arith.addf %mul3A_329, %get3A_324 : vector<1x1000xf32>
    %reduce_max3A_331 = arith.constant dense<0xFF800000> : vector<1xf32>
    %reduce_max3A_332 = vector.multi_reduction <maximumf>, %add3A_330, %reduce_max3A_331 [1] : vector<1x1000xf32> to vector<1xf32>
    %broadcast_in_dim3A_333 = vector.shape_cast %reduce_max3A_332 : vector<1xf32> to vector<1x1xf32>
    %sub3A_334 = vector.broadcast %broadcast_in_dim3A_333 : vector<1x1xf32> to vector<1x1000xf32>
    %sub3A_335 = arith.subf %add3A_330, %sub3A_334 : vector<1x1000xf32>
    %exp3A_336 = math.exp %sub3A_335 : vector<1x1000xf32>
    %reduce_max3A_337 = arith.constant dense<0xFF800000> : vector<256xf32>
    %reduce_max3A_338 = vector.multi_reduction <maximumf>, %slice3A_294, %reduce_max3A_337 [0] : vector<1000x256xf32> to vector<256xf32>
    %broadcast_in_dim3A_339 = vector.shape_cast %reduce_max3A_338 : vector<256xf32> to vector<1x256xf32>
    %sub3A_340 = vector.broadcast %broadcast_in_dim3A_339 : vector<1x256xf32> to vector<1000x256xf32>
    %sub3A_341 = arith.subf %slice3A_294, %sub3A_340 : vector<1000x256xf32>
    %exp3A_342 = math.exp %sub3A_341 : vector<1000x256xf32>
    %mul3A_343 = arith.mulf %exp3A_342, %slice3A_295 : vector<1000x256xf32>
    %dot_general3A_344 = arith.constant dense<0.000000e+00> : vector<1x256xf32>
    %dot_general3A_345 = tpu.matmul %exp3A_336, %mul3A_343, %dot_general3A_344 {dimension_numbers = #tpu.dot_dimension_numbers<[1], [0], [0], [1], [0, 0, 1, 1], [], []>, transpose_lhs_hint = false} : vector<1x1000xf32>, vector<1000x256xf32>, vector<1x256xf32> -> vector<1x256xf32>
    %dot_general3A_346 = arith.constant dense<0.000000e+00> : vector<1x256xf32>
    %dot_general3A_347 = tpu.matmul %exp3A_336, %exp3A_342, %dot_general3A_346 {dimension_numbers = #tpu.dot_dimension_numbers<[1], [0], [0], [1], [0, 0, 1, 1], [], []>, transpose_lhs_hint = false} : vector<1x1000xf32>, vector<1000x256xf32>, vector<1x256xf32> -> vector<1x256xf32>
    %div3A_348 = arith.divf %dot_general3A_345, %dot_general3A_347 : vector<1x256xf32>
    %mul3A_349 = arith.mulf %logistic3A_314, %div3A_348 : vector<1x256xf32>
    %dot_general3A_350 = arith.constant dense<0.000000e+00> : vector<1x1000xf32>
    %dot_general3A_351 = tpu.matmul %mul3A_349, %slice3A_287, %dot_general3A_350 {dimension_numbers = #tpu.dot_dimension_numbers<[1], [1], [0], [0], [0, 0, 1, 0], [], []>, transpose_lhs_hint = false} : vector<1x256xf32>, vector<1000x256xf32>, vector<1x1000xf32> -> vector<1x1000xf32>
    %div3A_352 = arith.constant 1.600000e+01 : f32
    %div3A_353 = vector.broadcast %div3A_352 : f32 to vector<1x1000xf32>
    %div3A_354 = arith.divf %dot_general3A_351, %div3A_353 : vector<1x1000xf32>
    %tanh3A_355 = math.tanh %div3A_354 : vector<1x1000xf32>
    %mul3A_356 = arith.constant 1.000000e+01 : f32
    %mul3A_357 = vector.broadcast %mul3A_356 : f32 to vector<1x1000xf32>
    %mul3A_358 = arith.mulf %mul3A_357, %tanh3A_355 : vector<1x1000xf32>
    %mul3A_359 = vector.broadcast %slice3A_10 : vector<1x1xf32> to vector<1x1000xf32>
    %mul3A_360 = arith.mulf %mul3A_359, %get3A_319 : vector<1x1000xf32>
    %sub3A_361 = arith.subf %mul3A_358, %mul3A_360 : vector<1x1000xf32>
    %add3A_362 = arith.addf %sub3A_361, %get3A_324 : vector<1x1000xf32>
    %reduce_max3A_363 = arith.constant dense<0xFF800000> : vector<1xf32>
    %reduce_max3A_364 = vector.multi_reduction <maximumf>, %add3A_362, %reduce_max3A_363 [1] : vector<1x1000xf32> to vector<1xf32>
    %broadcast_in_dim3A_365 = vector.shape_cast %reduce_max3A_364 : vector<1xf32> to vector<1x1xf32>
    %sub3A_366 = vector.broadcast %broadcast_in_dim3A_365 : vector<1x1xf32> to vector<1x1000xf32>
    %sub3A_367 = arith.subf %add3A_362, %sub3A_366 : vector<1x1000xf32>
    %exp3A_368 = math.exp %sub3A_367 : vector<1x1000xf32>
    %reduce_sum3A_369 = arith.constant dense<0.000000e+00> : vector<1xf32>
    %reduce_sum3A_370 = vector.multi_reduction <add>, %exp3A_368, %reduce_sum3A_369 [1] : vector<1x1000xf32> to vector<1xf32>
    %broadcast_in_dim3A_371 = vector.shape_cast %reduce_sum3A_370 : vector<1xf32> to vector<1x1xf32>
    %div3A_372 = vector.broadcast %broadcast_in_dim3A_371 : vector<1x1xf32> to vector<1x1000xf32>
    %div3A_373 = arith.divf %exp3A_368, %div3A_372 : vector<1x1000xf32>
    %swap3A_374 = arith.constant 2 : index
    %swap3A_375 = arith.constant 0 : index
    %swap3A_376 = arith.constant 0 : index
    %swap3A_377 = vector.load %arg11[%swap3A_374, %swap3A_375, %swap3A_376] : memref<4x1x1000xf32, #tpu.memory_space<vmem>>, vector<1x1x1000xf32>
    %swap3A_378 = vector.shape_cast %swap3A_377 : vector<1x1x1000xf32> to vector<1x1000xf32>
    %swap3A_379 = vector.shape_cast %div3A_373 : vector<1x1000xf32> to vector<1x1x1000xf32>
    tpu.vector_store %arg11[%swap3A_374, %swap3A_375, %swap3A_376], %swap3A_379 {strides = array<i32>} : memref<4x1x1000xf32, #tpu.memory_space<vmem>>, vector<1x1x1000xf32>,
    %reduce_max3A_380 = arith.constant dense<0xFF800000> : vector<1xf32>
    %reduce_max3A_381 = vector.multi_reduction <maximumf>, %div3A_373, %reduce_max3A_380 [1] : vector<1x1000xf32> to vector<1xf32>
    %broadcast_in_dim3A_382 = vector.shape_cast %reduce_max3A_381 : vector<1xf32> to vector<1x1xf32>
    %iota3A_383 = tpu.iota {dimensions = array<i32: 1>} : vector<1x1000xi32>
    %eq3A_384 = vector.broadcast %broadcast_in_dim3A_382 : vector<1x1xf32> to vector<1x1000xf32>
    %eq3A_385 = arith.cmpf oeq, %div3A_373, %eq3A_384 : vector<1x1000xf32>
    %jit3A_386 = arith.constant 1000 : i32
    %broadcast_in_dim3A_387 = vector.broadcast %jit3A_386 : i32 to vector<1x1000xi32>
    %select_n3A_388 = arith.select %eq3A_385, %iota3A_383, %broadcast_in_dim3A_387 : vector<1x1000xi1>, vector<1x1000xi32>
    %reduce_min3A_389 = arith.constant dense<2147483647> : vector<1xi32>
    %reduce_min3A_390 = vector.multi_reduction <minsi>, %select_n3A_388, %reduce_min3A_389 [1] : vector<1x1000xi32> to vector<1xi32>
    %broadcast_in_dim3A_391 = vector.shape_cast %reduce_min3A_390 : vector<1xi32> to vector<1x1xi32>
    %eq3A_392 = vector.broadcast %broadcast_in_dim3A_391 : vector<1x1xi32> to vector<1x1000xi32>
    %eq3A_393 = arith.cmpi eq, %iota3A_383, %eq3A_392 : vector<1x1000xi32>
    %get3A_394 = arith.constant 2 : index
    %get3A_395 = arith.constant 0 : index
    %get3A_396 = arith.constant 0 : index
    %get3A_397 = vector.load %arg4[%get3A_394, %get3A_395, %get3A_396] : memref<4x1x1000xi32, #tpu.memory_space<vmem>>, vector<1x1x1000xi32>
    %get3A_398 = vector.shape_cast %get3A_397 : vector<1x1x1000xi32> to vector<1x1000xi32>
    %jit3A_399 = arith.constant 0 : i32
    %broadcast_in_dim3A_400 = vector.broadcast %jit3A_399 : i32 to vector<1x1000xi32>
    %select_n3A_401 = arith.select %eq3A_393, %get3A_398, %broadcast_in_dim3A_400 : vector<1x1000xi1>, vector<1x1000xi32>
    %reduce_sum3A_402 = arith.constant dense<0> : vector<1xi32>
    %reduce_sum3A_403 = vector.multi_reduction <add>, %select_n3A_401, %reduce_sum3A_402 [1] : vector<1x1000xi32> to vector<1xi32>
    %broadcast_in_dim3A_404 = vector.shape_cast %reduce_sum3A_403 : vector<1xi32> to vector<1x1xi32>
    %broadcast_in_dim3A_405 = vector.shape_cast %broadcast_in_dim3A_404 : vector<1x1xi32> to vector<1x1xi32>
    %broadcast_in_dim3A_406 = vector.broadcast %broadcast_in_dim3A_405 : vector<1x1xi32> to vector<1x128xi32>
    %swap3A_407 = arith.constant 2 : index
    %swap3A_408 = arith.constant 0 : index
    %swap3A_409 = arith.constant 0 : index
    %swap3A_410 = vector.load %arg12[%swap3A_407, %swap3A_408, %swap3A_409] : memref<4x1x128xi32, #tpu.memory_space<vmem>>, vector<1x1x128xi32>
    %swap3A_411 = vector.shape_cast %swap3A_410 : vector<1x1x128xi32> to vector<1x128xi32>
    %swap3A_412 = vector.shape_cast %broadcast_in_dim3A_406 : vector<1x128xi32> to vector<1x1x128xi32>
    tpu.vector_store %arg12[%swap3A_407, %swap3A_408, %swap3A_409], %swap3A_412 {strides = array<i32>} : memref<4x1x128xi32, #tpu.memory_space<vmem>>, vector<1x1x128xi32>,
    %broadcast_in_dim3A_413 = vector.shape_cast %broadcast_in_dim3A_382 : vector<1x1xf32> to vector<1x1xf32>
    %broadcast_in_dim3A_414 = vector.broadcast %broadcast_in_dim3A_413 : vector<1x1xf32> to vector<1x128xf32>
    %swap3A_415 = arith.constant 2 : index
    %swap3A_416 = arith.constant 0 : index
    %swap3A_417 = arith.constant 0 : index
    %swap3A_418 = vector.load %arg13[%swap3A_415, %swap3A_416, %swap3A_417] : memref<4x1x128xf32, #tpu.memory_space<vmem>>, vector<1x1x128xf32>
    %swap3A_419 = vector.shape_cast %swap3A_418 : vector<1x1x128xf32> to vector<1x128xf32>
    %swap3A_420 = vector.shape_cast %broadcast_in_dim3A_414 : vector<1x128xf32> to vector<1x1x128xf32>
    tpu.vector_store %arg13[%swap3A_415, %swap3A_416, %swap3A_417], %swap3A_420 {strides = array<i32>} : memref<4x1x128xf32, #tpu.memory_space<vmem>>, vector<1x1x128xf32>,
    %get3A_421 = arith.constant 3 : index
    %get3A_422 = arith.constant 0 : index
    %get3A_423 = arith.constant 0 : index
    %get3A_424 = vector.load %arg1[%get3A_421, %get3A_422, %get3A_423] : memref<4x1024x8xf32, #tpu.memory_space<vmem>>, vector<1x1024x8xf32>
    %get3A_425 = vector.shape_cast %get3A_424 : vector<1x1024x8xf32> to vector<1024x8xf32>
    %dot_general3A_426 = arith.constant dense<0.000000e+00> : vector<1024x256xf32>
    %dot_general3A_427 = tpu.matmul %get3A_425, %get3A_1, %dot_general3A_426 {dimension_numbers = #tpu.dot_dimension_numbers<[1], [0], [0], [1], [0, 0, 1, 1], [], []>, transpose_lhs_hint = false} : vector<1024x8xf32>, vector<8x256xf32>, vector<1024x256xf32> -> vector<1024x256xf32>
    %add3A_428 = vector.broadcast %get3A_4 : vector<1x256xf32> to vector<1024x256xf32>
    %add3A_429 = arith.addf %dot_general3A_427, %add3A_428 : vector<1024x256xf32>
    %slice3A_430 = vector.extract_strided_slice %add3A_429 {offsets = [0, 0], sizes = [1000, 256], strides = [1, 1]} : vector<1024x256xf32> to vector<1000x256xf32>
    %convert_element_type3A_431 = arith.truncf %slice3A_430 : vector<1000x256xf32> to vector<1000x256xbf16>
    %get3A_432 = arith.constant 0 : index
    %get3A_433 = arith.constant 0 : index
    %get3A_434 = vector.load %arg10[%get3A_432, %get3A_433] : memref<256x512xbf16, #tpu.memory_space<vmem>>, vector<256x512xbf16>
    %dot_general3A_435 = arith.constant dense<0.000000e+00> : vector<1000x512xf32>
    %dot_general3A_436 = tpu.matmul %convert_element_type3A_431, %get3A_434, %dot_general3A_435 {dimension_numbers = #tpu.dot_dimension_numbers<[1], [0], [0], [1], [0, 0, 1, 1], [], []>, transpose_lhs_hint = false} : vector<1000x256xbf16>, vector<256x512xbf16>, vector<1000x512xf32> -> vector<1000x512xf32>
    %slice3A_437 = vector.extract_strided_slice %dot_general3A_436 {offsets = [0, 0], sizes = [1000, 256], strides = [1, 1]} : vector<1000x512xf32> to vector<1000x256xf32>
    %slice3A_438 = vector.extract_strided_slice %dot_general3A_436 {offsets = [0, 256], sizes = [1000, 256], strides = [1, 1]} : vector<1000x512xf32> to vector<1000x256xf32>
    %slice3A_439 = vector.extract_strided_slice %add3A_429 {offsets = [1000, 0], sizes = [1, 256], strides = [1, 1]} : vector<1024x256xf32> to vector<1x256xf32>
    %slice3A_440 = vector.extract_strided_slice %get3A_425 {offsets = [1000, 3], sizes = [1, 1], strides = [1, 1]} : vector<1024x8xf32> to vector<1x1xf32>
    %get3A_441 = arith.constant 0 : index
    %get3A_442 = arith.constant 0 : index
    %get3A_443 = vector.load %arg8[%get3A_441, %get3A_442] : memref<256x256xf32, #tpu.memory_space<vmem>>, vector<256x256xf32>
    %dot_general3A_444 = arith.constant dense<0.000000e+00> : vector<1x256xf32>
    %dot_general3A_445 = tpu.matmul %slice3A_439, %get3A_443, %dot_general3A_444 {dimension_numbers = #tpu.dot_dimension_numbers<[1], [0], [0], [1], [0, 0, 1, 1], [], []>, transpose_lhs_hint = false} : vector<1x256xf32>, vector<256x256xf32>, vector<1x256xf32> -> vector<1x256xf32>
    %get3A_446 = arith.constant 0 : index
    %get3A_447 = arith.constant 0 : index
    %get3A_448 = vector.load %arg9[%get3A_446, %get3A_447] : memref<1x256xf32, #tpu.memory_space<vmem>>, vector<1x256xf32>
    %mul3A_449 = vector.broadcast %slice3A_440 : vector<1x1xf32> to vector<1x256xf32>
    %mul3A_450 = arith.mulf %mul3A_449, %get3A_448 : vector<1x256xf32>
    %add3A_451 = arith.addf %dot_general3A_445, %mul3A_450 : vector<1x256xf32>
    %logistic3A_452 = arith.negf %add3A_451 : vector<1x256xf32>
    %logistic3A_453 = math.exp %logistic3A_452 : vector<1x256xf32>
    %logistic3A_454 = arith.constant 1.000000e+00 : f32
    %logistic3A_455 = vector.broadcast %logistic3A_454 : f32 to vector<1x256xf32>
    %logistic3A_456 = arith.addf %logistic3A_455, %logistic3A_453 : vector<1x256xf32>
    %logistic3A_457 = arith.divf %logistic3A_455, %logistic3A_456 : vector<1x256xf32>
    %get3A_458 = arith.constant 3 : index
    %get3A_459 = arith.constant 0 : index
    %get3A_460 = arith.constant 0 : index
    %get3A_461 = vector.load %arg2[%get3A_458, %get3A_459, %get3A_460] : memref<4x1x1000xf32, #tpu.memory_space<vmem>>, vector<1x1x1000xf32>
    %get3A_462 = vector.shape_cast %get3A_461 : vector<1x1x1000xf32> to vector<1x1000xf32>
    %get3A_463 = arith.constant 3 : index
    %get3A_464 = arith.constant 0 : index
    %get3A_465 = arith.constant 0 : index
    %get3A_466 = vector.load %arg3[%get3A_463, %get3A_464, %get3A_465] : memref<4x1x1000xf32, #tpu.memory_space<vmem>>, vector<1x1x1000xf32>
    %get3A_467 = vector.shape_cast %get3A_466 : vector<1x1x1000xf32> to vector<1x1000xf32>
    %neg3A_468 = arith.constant 0.000000e+00 : f32
    %neg3A_469 = vector.broadcast %neg3A_468 : f32 to vector<1x1xf32>
    %neg3A_470 = arith.subf %neg3A_469, %slice3A : vector<1x1xf32>
    %mul3A_471 = vector.broadcast %neg3A_470 : vector<1x1xf32> to vector<1x1000xf32>
    %mul3A_472 = arith.mulf %mul3A_471, %get3A_462 : vector<1x1000xf32>
    %add3A_473 = arith.addf %mul3A_472, %get3A_467 : vector<1x1000xf32>
    %reduce_max3A_474 = arith.constant dense<0xFF800000> : vector<1xf32>
    %reduce_max3A_475 = vector.multi_reduction <maximumf>, %add3A_473, %reduce_max3A_474 [1] : vector<1x1000xf32> to vector<1xf32>
    %broadcast_in_dim3A_476 = vector.shape_cast %reduce_max3A_475 : vector<1xf32> to vector<1x1xf32>
    %sub3A_477 = vector.broadcast %broadcast_in_dim3A_476 : vector<1x1xf32> to vector<1x1000xf32>
    %sub3A_478 = arith.subf %add3A_473, %sub3A_477 : vector<1x1000xf32>
    %exp3A_479 = math.exp %sub3A_478 : vector<1x1000xf32>
    %reduce_max3A_480 = arith.constant dense<0xFF800000> : vector<256xf32>
    %reduce_max3A_481 = vector.multi_reduction <maximumf>, %slice3A_437, %reduce_max3A_480 [0] : vector<1000x256xf32> to vector<256xf32>
    %broadcast_in_dim3A_482 = vector.shape_cast %reduce_max3A_481 : vector<256xf32> to vector<1x256xf32>
    %sub3A_483 = vector.broadcast %broadcast_in_dim3A_482 : vector<1x256xf32> to vector<1000x256xf32>
    %sub3A_484 = arith.subf %slice3A_437, %sub3A_483 : vector<1000x256xf32>
    %exp3A_485 = math.exp %sub3A_484 : vector<1000x256xf32>
    %mul3A_486 = arith.mulf %exp3A_485, %slice3A_438 : vector<1000x256xf32>
    %dot_general3A_487 = arith.constant dense<0.000000e+00> : vector<1x256xf32>
    %dot_general3A_488 = tpu.matmul %exp3A_479, %mul3A_486, %dot_general3A_487 {dimension_numbers = #tpu.dot_dimension_numbers<[1], [0], [0], [1], [0, 0, 1, 1], [], []>, transpose_lhs_hint = false} : vector<1x1000xf32>, vector<1000x256xf32>, vector<1x256xf32> -> vector<1x256xf32>
    %dot_general3A_489 = arith.constant dense<0.000000e+00> : vector<1x256xf32>
    %dot_general3A_490 = tpu.matmul %exp3A_479, %exp3A_485, %dot_general3A_489 {dimension_numbers = #tpu.dot_dimension_numbers<[1], [0], [0], [1], [0, 0, 1, 1], [], []>, transpose_lhs_hint = false} : vector<1x1000xf32>, vector<1000x256xf32>, vector<1x256xf32> -> vector<1x256xf32>
    %div3A_491 = arith.divf %dot_general3A_488, %dot_general3A_490 : vector<1x256xf32>
    %mul3A_492 = arith.mulf %logistic3A_457, %div3A_491 : vector<1x256xf32>
    %dot_general3A_493 = arith.constant dense<0.000000e+00> : vector<1x1000xf32>
    %dot_general3A_494 = tpu.matmul %mul3A_492, %slice3A_430, %dot_general3A_493 {dimension_numbers = #tpu.dot_dimension_numbers<[1], [1], [0], [0], [0, 0, 1, 0], [], []>, transpose_lhs_hint = false} : vector<1x256xf32>, vector<1000x256xf32>, vector<1x1000xf32> -> vector<1x1000xf32>
    %div3A_495 = arith.constant 1.600000e+01 : f32
    %div3A_496 = vector.broadcast %div3A_495 : f32 to vector<1x1000xf32>
    %div3A_497 = arith.divf %dot_general3A_494, %div3A_496 : vector<1x1000xf32>
    %tanh3A_498 = math.tanh %div3A_497 : vector<1x1000xf32>
    %mul3A_499 = arith.constant 1.000000e+01 : f32
    %mul3A_500 = vector.broadcast %mul3A_499 : f32 to vector<1x1000xf32>
    %mul3A_501 = arith.mulf %mul3A_500, %tanh3A_498 : vector<1x1000xf32>
    %mul3A_502 = vector.broadcast %slice3A_10 : vector<1x1xf32> to vector<1x1000xf32>
    %mul3A_503 = arith.mulf %mul3A_502, %get3A_462 : vector<1x1000xf32>
    %sub3A_504 = arith.subf %mul3A_501, %mul3A_503 : vector<1x1000xf32>
    %add3A_505 = arith.addf %sub3A_504, %get3A_467 : vector<1x1000xf32>
    %reduce_max3A_506 = arith.constant dense<0xFF800000> : vector<1xf32>
    %reduce_max3A_507 = vector.multi_reduction <maximumf>, %add3A_505, %reduce_max3A_506 [1] : vector<1x1000xf32> to vector<1xf32>
    %broadcast_in_dim3A_508 = vector.shape_cast %reduce_max3A_507 : vector<1xf32> to vector<1x1xf32>
    %sub3A_509 = vector.broadcast %broadcast_in_dim3A_508 : vector<1x1xf32> to vector<1x1000xf32>
    %sub3A_510 = arith.subf %add3A_505, %sub3A_509 : vector<1x1000xf32>
    %exp3A_511 = math.exp %sub3A_510 : vector<1x1000xf32>
    %reduce_sum3A_512 = arith.constant dense<0.000000e+00> : vector<1xf32>
    %reduce_sum3A_513 = vector.multi_reduction <add>, %exp3A_511, %reduce_sum3A_512 [1] : vector<1x1000xf32> to vector<1xf32>
    %broadcast_in_dim3A_514 = vector.shape_cast %reduce_sum3A_513 : vector<1xf32> to vector<1x1xf32>
    %div3A_515 = vector.broadcast %broadcast_in_dim3A_514 : vector<1x1xf32> to vector<1x1000xf32>
    %div3A_516 = arith.divf %exp3A_511, %div3A_515 : vector<1x1000xf32>
    %swap3A_517 = arith.constant 3 : index
    %swap3A_518 = arith.constant 0 : index
    %swap3A_519 = arith.constant 0 : index
    %swap3A_520 = vector.load %arg11[%swap3A_517, %swap3A_518, %swap3A_519] : memref<4x1x1000xf32, #tpu.memory_space<vmem>>, vector<1x1x1000xf32>
    %swap3A_521 = vector.shape_cast %swap3A_520 : vector<1x1x1000xf32> to vector<1x1000xf32>
    %swap3A_522 = vector.shape_cast %div3A_516 : vector<1x1000xf32> to vector<1x1x1000xf32>
    tpu.vector_store %arg11[%swap3A_517, %swap3A_518, %swap3A_519], %swap3A_522 {strides = array<i32>} : memref<4x1x1000xf32, #tpu.memory_space<vmem>>, vector<1x1x1000xf32>,
    %reduce_max3A_523 = arith.constant dense<0xFF800000> : vector<1xf32>
    %reduce_max3A_524 = vector.multi_reduction <maximumf>, %div3A_516, %reduce_max3A_523 [1] : vector<1x1000xf32> to vector<1xf32>
    %broadcast_in_dim3A_525 = vector.shape_cast %reduce_max3A_524 : vector<1xf32> to vector<1x1xf32>
    %iota3A_526 = tpu.iota {dimensions = array<i32: 1>} : vector<1x1000xi32>
    %eq3A_527 = vector.broadcast %broadcast_in_dim3A_525 : vector<1x1xf32> to vector<1x1000xf32>
    %eq3A_528 = arith.cmpf oeq, %div3A_516, %eq3A_527 : vector<1x1000xf32>
    %jit3A_529 = arith.constant 1000 : i32
    %broadcast_in_dim3A_530 = vector.broadcast %jit3A_529 : i32 to vector<1x1000xi32>
    %select_n3A_531 = arith.select %eq3A_528, %iota3A_526, %broadcast_in_dim3A_530 : vector<1x1000xi1>, vector<1x1000xi32>
    %reduce_min3A_532 = arith.constant dense<2147483647> : vector<1xi32>
    %reduce_min3A_533 = vector.multi_reduction <minsi>, %select_n3A_531, %reduce_min3A_532 [1] : vector<1x1000xi32> to vector<1xi32>
    %broadcast_in_dim3A_534 = vector.shape_cast %reduce_min3A_533 : vector<1xi32> to vector<1x1xi32>
    %eq3A_535 = vector.broadcast %broadcast_in_dim3A_534 : vector<1x1xi32> to vector<1x1000xi32>
    %eq3A_536 = arith.cmpi eq, %iota3A_526, %eq3A_535 : vector<1x1000xi32>
    %get3A_537 = arith.constant 3 : index
    %get3A_538 = arith.constant 0 : index
    %get3A_539 = arith.constant 0 : index
    %get3A_540 = vector.load %arg4[%get3A_537, %get3A_538, %get3A_539] : memref<4x1x1000xi32, #tpu.memory_space<vmem>>, vector<1x1x1000xi32>
    %get3A_541 = vector.shape_cast %get3A_540 : vector<1x1x1000xi32> to vector<1x1000xi32>
    %jit3A_542 = arith.constant 0 : i32
    %broadcast_in_dim3A_543 = vector.broadcast %jit3A_542 : i32 to vector<1x1000xi32>
    %select_n3A_544 = arith.select %eq3A_536, %get3A_541, %broadcast_in_dim3A_543 : vector<1x1000xi1>, vector<1x1000xi32>
    %reduce_sum3A_545 = arith.constant dense<0> : vector<1xi32>
    %reduce_sum3A_546 = vector.multi_reduction <add>, %select_n3A_544, %reduce_sum3A_545 [1] : vector<1x1000xi32> to vector<1xi32>
    %broadcast_in_dim3A_547 = vector.shape_cast %reduce_sum3A_546 : vector<1xi32> to vector<1x1xi32>
    %broadcast_in_dim3A_548 = vector.shape_cast %broadcast_in_dim3A_547 : vector<1x1xi32> to vector<1x1xi32>
    %broadcast_in_dim3A_549 = vector.broadcast %broadcast_in_dim3A_548 : vector<1x1xi32> to vector<1x128xi32>
    %swap3A_550 = arith.constant 3 : index
    %swap3A_551 = arith.constant 0 : index
    %swap3A_552 = arith.constant 0 : index
    %swap3A_553 = vector.load %arg12[%swap3A_550, %swap3A_551, %swap3A_552] : memref<4x1x128xi32, #tpu.memory_space<vmem>>, vector<1x1x128xi32>
    %swap3A_554 = vector.shape_cast %swap3A_553 : vector<1x1x128xi32> to vector<1x128xi32>
    %swap3A_555 = vector.shape_cast %broadcast_in_dim3A_549 : vector<1x128xi32> to vector<1x1x128xi32>
    tpu.vector_store %arg12[%swap3A_550, %swap3A_551, %swap3A_552], %swap3A_555 {strides = array<i32>} : memref<4x1x128xi32, #tpu.memory_space<vmem>>, vector<1x1x128xi32>,
    %broadcast_in_dim3A_556 = vector.shape_cast %broadcast_in_dim3A_525 : vector<1x1xf32> to vector<1x1xf32>
    %broadcast_in_dim3A_557 = vector.broadcast %broadcast_in_dim3A_556 : vector<1x1xf32> to vector<1x128xf32>
    %swap3A_558 = arith.constant 3 : index
    %swap3A_559 = arith.constant 0 : index
    %swap3A_560 = arith.constant 0 : index
    %swap3A_561 = vector.load %arg13[%swap3A_558, %swap3A_559, %swap3A_560] : memref<4x1x128xf32, #tpu.memory_space<vmem>>, vector<1x1x128xf32>
    %swap3A_562 = vector.shape_cast %swap3A_561 : vector<1x1x128xf32> to vector<1x128xf32>
    %swap3A_563 = vector.shape_cast %broadcast_in_dim3A_557 : vector<1x128xf32> to vector<1x1x128xf32>
    tpu.vector_store %arg13[%swap3A_558, %swap3A_559, %swap3A_560], %swap3A_563 {strides = array<i32>} : memref<4x1x128xf32, #tpu.memory_space<vmem>>, vector<1x1x128xf32>,
    return
  }
  func.func @transform_0(%arg0: i32) -> (i32, i32, i32) {
    %c0_i32 = arith.constant 0 : i32
    %c0_i32_0 = arith.constant 0 : i32
    %c0_i32_1 = arith.constant 0 : i32
    return %arg0, %c0_i32, %c0_i32_0 : i32, i32, i32
  }
  func.func @transform_1(%arg0: i32) -> (i32, i32, i32) {
    %c0_i32 = arith.constant 0 : i32
    %c0_i32_0 = arith.constant 0 : i32
    %c0_i32_1 = arith.constant 0 : i32
    return %arg0, %c0_i32, %c0_i32_0 : i32, i32, i32
  }
  func.func @transform_2(%arg0: i32) -> (i32, i32, i32) {
    %c0_i32 = arith.constant 0 : i32
    %c0_i32_0 = arith.constant 0 : i32
    %c0_i32_1 = arith.constant 0 : i32
    return %arg0, %c0_i32, %c0_i32_0 : i32, i32, i32
  }
  func.func @transform_3(%arg0: i32) -> (i32, i32, i32) {
    %c0_i32 = arith.constant 0 : i32
    %c0_i32_0 = arith.constant 0 : i32
    %c0_i32_1 = arith.constant 0 : i32
    return %arg0, %c0_i32, %c0_i32_0 : i32, i32, i32
  }
  func.func @transform_4(%arg0: i32) -> (i32, i32, i32) {
    %c0_i32 = arith.constant 0 : i32
    %c0_i32_0 = arith.constant 0 : i32
    %c0_i32_1 = arith.constant 0 : i32
    %c0_i32_2 = arith.constant 0 : i32
    return %c0_i32, %c0_i32_0, %c0_i32_1 : i32, i32, i32
  }
  func.func @transform_5(%arg0: i32) -> (i32, i32) {
    %c0_i32 = arith.constant 0 : i32
    %c0_i32_0 = arith.constant 0 : i32
    %c0_i32_1 = arith.constant 0 : i32
    return %c0_i32, %c0_i32_0 : i32, i32
  }
  func.func @transform_6(%arg0: i32) -> (i32, i32) {
    %c0_i32 = arith.constant 0 : i32
    %c0_i32_0 = arith.constant 0 : i32
    %c0_i32_1 = arith.constant 0 : i32
    return %c0_i32, %c0_i32_0 : i32, i32
  }
  func.func @transform_7(%arg0: i32) -> (i32, i32) {
    %c0_i32 = arith.constant 0 : i32
    %c0_i32_0 = arith.constant 0 : i32
    %c0_i32_1 = arith.constant 0 : i32
    return %c0_i32, %c0_i32_0 : i32, i32
  }
  func.func @transform_8(%arg0: i32) -> (i32, i32) {
    %c0_i32 = arith.constant 0 : i32
    %c0_i32_0 = arith.constant 0 : i32
    %c0_i32_1 = arith.constant 0 : i32
    return %c0_i32, %c0_i32_0 : i32, i32
  }
  func.func @transform_9(%arg0: i32) -> (i32, i32) {
    %c0_i32 = arith.constant 0 : i32
    %c0_i32_0 = arith.constant 0 : i32
    %c0_i32_1 = arith.constant 0 : i32
    return %c0_i32, %c0_i32_0 : i32, i32
  }
  func.func @transform_10(%arg0: i32) -> (i32, i32, i32) {
    %c0_i32 = arith.constant 0 : i32
    %c0_i32_0 = arith.constant 0 : i32
    %c0_i32_1 = arith.constant 0 : i32
    return %arg0, %c0_i32, %c0_i32_0 : i32, i32, i32
  }
  func.func @transform_11(%arg0: i32) -> (i32, i32, i32) {
    %c0_i32 = arith.constant 0 : i32
    %c0_i32_0 = arith.constant 0 : i32
    %c0_i32_1 = arith.constant 0 : i32
    return %arg0, %c0_i32, %c0_i32_0 : i32, i32, i32
  }
  func.func @transform_12(%arg0: i32) -> (i32, i32, i32) {
    %c0_i32 = arith.constant 0 : i32
    %c0_i32_0 = arith.constant 0 : i32
    %c0_i32_1 = arith.constant 0 : i32
    return %arg0, %c0_i32, %c0_i32_0 : i32, i32, i32
  }
}

</mosaic_0001>

<sc_bundles>
// kernel: kernel.5.cloned.1.call-start
scs
__scs_entry_jumppad:
0x0: {  	(pc) =	sbr.rel $0x88, $3  }
0x1: {  	(tag) =	ssettag $0x0;
	lr =	simm.s32 $0x1  }
0x2: {  	[smem:$0x3F91] =	sst lr;
	_ =	strace $0xD0000000  }
0x3: {  	_ = 	snop  }
0x4: {  	_ = 	snop  }
0x5: {  	_ = 	snop  }
0x6: {  	_ = 	snop  }
0x7: {  	_ = 	snop  }
__scs_overlays_trampoline_lowered:
0x8: {  	[smem:$0x3FA0] =	sst s0  }
0x9: {  	[smem:$0x3FA1] =	sst s1  }
0xa: {  	[smem:$0x3FA2] =	sst s2  }
0xb: {  	[smem:$0x3FA3] =	sst s3  }
0xc: {  	[smem:$0x3FA4] =	sst s4  }
0xd: {  	[smem:$0x3FA5] =	sst s5  }
0xe: {  	[smem:$0x3FA6] =	sst s6  }
0xf: {  	[smem:$0x3FA7] =	sst s7  }
0x10: {  	[smem:$0x3FA8] =	sst s8  }
0x11: {  	[smem:$0x3FA9] =	sst s9;
	s0 =	simm.s32 @!p0 $0x0  }
0x12: {  	s1 =	sld [smem:$0x3F8F];
	s0 =	simm.s32 @p0 $0x1  }
0x13: {  	[smem:$0x3FAA] =	sst s0;
	s0 =	simm.s32 @!p1 $0x0  }
0x14: {  	s2 =	sld [smem:$0x3F8E];
	s0 =	simm.s32 @p1 $0x1  }
0x15: {  	[smem:$0x3FAB] =	sst s0;
	s0 =	simm.s32 @!p2 $0x0  }
0x16: {  	s3 =	sld [smem:$0x3FDB];
	s0 =	simm.s32 @p2 $0x1  }
0x17: {  	s4 =	simm.s32 $0x1BF5;
	[smem:$0x3FAD] =	sst s0  }
0x18: {  	s0 =	sld [smem:$0x3F90];
	_ =	swait.ge [sflag:s4], $0x0  }
0x19: {  	s7 =	sld [smem:$0x3F91]  }
0x1a: {  	s8 =	sadd.s32 $0xFFFFE003, lr  }
0x1b: {  	s9 =	sadd.s32 $0xFFFFFEF7, lr;
	s5 =	simm.s32 $0xFFFFFFFF;
	p2 =	slt.u32 s8, $0xFFFFF086  }
0x1c: {  	p1 =	slt.u32 s9, $0xF7A;
	s5 =	simm.s32 @!p2 $0x0  }
0x1d: {  	s5 =	simm.s32 @p1 $0x1;
	p0 =	seq.s32 s7, s2  }
0x1e: {  	s7 =	smul.u32 @!p0 $0xF7A, s2;
	p2 =	seq.s32 @!p0 s5, $0x0  }
0x1f: {  	s9 =	smul.u32 $0xF7A, s1;
	s8 =	simm.s32 @!p0 $0x1BF5;
	p2 =	por !p2, p0  }
0x20: {  	[sflag:s8] =	ssyncset.s32 @!p0 $0xFFFFF086;
	s6 =	sadd.s32 @!p0 s3, s7;
	s7 =	simm.s32 @!p0 $0x108  }
0x21: {  	s3 =	sadd.s32 s3, s9;
	s6 =	sadd.s32 @!p0 $0x88, s6;
	s7 =	simm.s32 @p2 $0x1082  }
0x22: {  	[simem:s7], [sflag:s8] =	dma.local @!p0 [hbm:s6], $0xF7A  }
0x23: {  	s9 =	sor.u32 $0xD0000000, s2;
	s6 =	simm.s32 $0x108;
	_ =	swait.ge @!p0 [sflag:s8], $0x0  }
0x24: {  	s3 =	sadd.s32 $0x88, s3;
	s6 =	simm.s32 @!p1 $0x1082;
	[sflag:s4] =	ssyncset.s32 $0xFFFFF086  }
0x25: {  	[simem:s6], [sflag:s4] =	dma.local [hbm:s3], $0xF7A  }
0x26: {  	[smem:$0x3F91] =	sst s1;
	(tag) =	ssettag s2;
	_ =	strace s9  }
0x27: {  	s1 =	sld [smem:$0x3FA1]  }
0x28: {  	s2 =	sld [smem:$0x3FA2]  }
0x29: {  	s4 =	sld [smem:$0x3FA4]  }
0x2a: {  	p0 =	seq.s32 s5, $0x0;
	s5 =	sld [smem:$0x3FA5]  }
0x2b: {  	s6 =	sld [smem:$0x3FA6]  }
0x2c: {  	s7 =	sld [smem:$0x3FA7]  }
0x2d: {  	s3 =	simm.s32 $0x108;
	s8 =	sld [smem:$0x3FA8]  }
0x2e: {  	s3 =	simm.s32 @!p0 $0x1082;
	s9 =	sld [smem:$0x3FA9]  }
0x2f: {  	lr =	sadd.s32 s0, s3;
	s0 =	sld [smem:$0x3FA0]  }
0x30: {  	s3 =	sld [smem:$0x3FA3]  }
0x31: {  	[smem:$0x3FAC] =	sst s10  }
0x32: {  	s10 =	sld [smem:$0x3FAA];
	_ =	sdelay $0x3  }
0x33: {  	p0 =	seq.s32 s10, $0x1;
	s10 =	sld [smem:$0x3FAC];
	_ =	sdelay $0x3  }
0x34: {  	[smem:$0x3FAC] =	sst s10  }
0x35: {  	s10 =	sld [smem:$0x3FAB];
	_ =	sdelay $0x3  }
0x36: {  	p1 =	seq.s32 s10, $0x1;
	s10 =	sld [smem:$0x3FAC];
	_ =	sdelay $0x3  }
0x37: {  	[smem:$0x3FAC] =	sst s10  }
0x38: {  	s10 =	sld [smem:$0x3FAD]  }
0x39: {  	_ = 	snop;
	(pc) =	sbr.ind lr, $3  }
0x3a: {  	_ = 	snop  }
0x3b: {  	_ = 	snop  }
0x3c: {  	p2 =	seq.s32 s10, $0x1;
	s10 =	sld [smem:$0x3FAC]  }
0x3d: {  	_ =	shalt  }
0x3e: {  	_ =	shalt  }
0x3f: {  	_ =	shalt  }
0x40: {  	_ =	shalt  }
0x41: {  	_ =	shalt  }
0x42: {  	_ =	shalt  }
0x43: {  	_ =	shalt  }
0x44: {  	_ =	shalt  }
0x45: {  	_ =	shalt  }
0x46: {  	_ =	shalt  }
0x47: {  	_ =	shalt  }
0x48: {  	_ =	shalt  }
0x49: {  	_ =	shalt  }
0x4a: {  	_ =	shalt  }
0x4b: {  	_ =	shalt  }
0x4c: {  	_ =	shalt  }
0x4d: {  	_ =	shalt  }
0x4e: {  	_ =	shalt  }
0x4f: {  	_ =	shalt  }
0x50: {  	_ =	shalt  }
0x51: {  	_ =	shalt  }
0x52: {  	_ =	shalt  }
0x53: {  	_ =	shalt  }
0x54: {  	_ =	shalt  }
0x55: {  	_ =	shalt  }
0x56: {  	_ =	shalt  }
0x57: {  	_ =	shalt  }
0x58: {  	_ =	shalt  }
0x59: {  	_ =	shalt  }
0x5a: {  	_ =	shalt  }
0x5b: {  	_ =	shalt  }
0x5c: {  	_ =	shalt  }
0x5d: {  	_ =	shalt  }
0x5e: {  	_ =	shalt  }
0x5f: {  	_ =	shalt  }
0x60: {  	_ =	shalt  }
0x61: {  	_ =	shalt  }
0x62: {  	_ =	shalt  }
0x63: {  	_ =	shalt  }
0x64: {  	_ =	shalt  }
0x65: {  	_ =	shalt  }
0x66: {  	_ =	shalt  }
0x67: {  	_ =	shalt  }
0x68: {  	_ =	shalt  }
0x69: {  	_ =	shalt  }
0x6a: {  	_ =	shalt  }
0x6b: {  	_ =	shalt  }
0x6c: {  	_ =	shalt  }
0x6d: {  	_ =	shalt  }
0x6e: {  	_ =	shalt  }
0x6f: {  	_ =	shalt  }
0x70: {  	_ =	shalt  }
0x71: {  	_ =	shalt  }
0x72: {  	_ =	shalt  }
0x73: {  	_ =	shalt  }
0x74: {  	_ =	shalt  }
0x75: {  	_ =	shalt  }
0x76: {  	_ =	shalt  }
0x77: {  	_ =	shalt  }
0x78: {  	_ =	shalt  }
0x79: {  	_ =	shalt  }
0x7a: {  	_ =	shalt  }
0x7b: {  	_ =	shalt  }
0x7c: {  	_ =	shalt  }
0x7d: {  	_ =	shalt  }
0x7e: {  	_ =	shalt  }
0x7f: {  	_ =	shalt  }
0x80: {  	_ =	shalt  }
0x81: {  	_ =	shalt  }
0x82: {  	_ =	shalt  }
0x83: {  	_ =	shalt  }
0x84: {  	_ =	shalt  }
0x85: {  	_ =	shalt  }
0x86: {  	_ =	shalt  }
0x87: {  	_ =	shalt  }
.Lfunc_end0:
.L_simem_size_0:
called_computation_lowered:
.L_overlay_start_0:
0x88: {  	s2 =	sld [smem:$0x3FD9]  }
0x89: {  	s3 =	sld [smem:$0x3FFE];
	_ =	sdelay $0x1  }
0x8a: {  	s1 =	srdreg.scid  }
0x8b: {  	s0 =	sand.u32 $0x1, s1  }
0x8c: {  	s14 =	sshll.u32 s0, $0xA;
	s2 =	sadd.s32 s3, s2  }
0x8d: {  	s2 =	sadd.s32 s2, s14  }
0x8e: {  	[smem:$0x3FB8] =	sst s2  }
0x8f: {  	_ = 	snop  }
0x90: {  	s2 =	sld [smem:$0x3FD0];
	_ =	sdelay $0x2  }
0x91: {  	s15 =	simm.s32 $0xA;
	s4 =	simm.s32 $0x10  }
0x92: {  	[smem:s4], [sflag:s15] =	dma.local [hbm:s2], $0x1  }
0x93: {  	_ =	swait.eq [sflag:s15], $0x1  }
0x94: {  	[sflag:s15] =	ssyncset.done $0x0  }
0x95: {  	[sflag:s15] =	ssyncadd.s32 $0xFFFFFFFF  }
0x96: {  	s16 =	sld [smem:$0x10];
	(tm) =	ssettm $0x1  }
0x97: {  	s17 =	sld [smem:$0x3FFB];
	_ =	sdelay $0x3  }
0x98: {  	_ =	strace s17  }
0x99: {  	s3 =	sld [smem:$0x3FFC];
	_ =	sdelay $0x3  }
0x9a: {  	_ =	strace s3  }
0x9b: {  	s3 =	sld [smem:$0x3FFD];
	_ =	sdelay $0x3  }
0x9c: {  	_ =	strace s3  }
0x9d: {  	_ =	strace $0x8FFFFFFF  }
0x9e: {  	s18 =	sld [smem:$0x3FDB];
	_ =	sdelay $0x1  }
0x9f: {  	s19 =	simm.s32 $_scs_section_size  }
0xa0: {  	s5 =	simm.s32 $_size__tile_overlayer_lowered;
	s6 =	simm.s32 $_tile_overlayer_lowered  }
0xa1: {  	s22 =	simm.s32 $0x1BFF;
	s21 =	sshll.u32 s6, $0x1;
	s3 =	sadd.s32 s19, s18  }
0xa2: {  	s7 =	simm.s32 $0x0;
	s20 =	sshll.u32 s5, $0x1;
	s5 =	sadd.s32 s21, s3  }
0xa3: {  	[timem:s7], [sflag:s22] =	dma.local [hbm:s5], s20  }
0xa4: {  	_ =	swait.ge [sflag:s22], s20  }
0xa5: {  	s4 =	ssub.s32 $0x0, s20;
	[sflag:s22] =	ssyncset.done $0x0  }
0xa6: {  	[sflag:s22] =	ssyncadd.s32 s4;
	_ =	sdelay $0x1  }
0xa7: {  	s23 =	simm.s32 $0x1B8B  }
0xa8: {  	_ =	swait.ge [sflag:s23], $0x1  }
0xa9: {  	[sflag:s23] =	ssyncset.done $0x0  }
0xaa: {  	s25 =	simm.s32 $0x1B8E;
	s24 =	sld [smem:$0x3FFE];
	[sflag:s23] =	ssyncadd.s32 $0xFFFFFFFF  }
0xab: {  	s26 =	simm.s32 $execute0_lowered;
	[smem:$0x3FD2] =	sst s25  }
0xac: {  	s5 =	sshll.u32 s26, $0x1;
	_ =	strace $0x80000046;
	[dreg:$0x1] =	wrdreg $0xFFFFFFFF  }
0xad: {  	s28 =	simm.s32 $_size_execute0_lowered;
	s3 =	sadd.s32 s3, s5;
	[dreg:$0x0] =	wrdreg $0x0  }
0xae: {  	s5 =	sshll.u32 s28, $0x1;
	[dreg:$0x2] =	wrdreg s3  }
0xaf: {  	[dreg:$0x3] =	wrdreg s5  }
0xb0: {  	[dreg:$0x4] =	wrdreg $0xC0  }
0xb1: {  	_ =	task [dreg:s7], $0x5FFFF  }
0xb2: {  	[dreg:$0x1] =	wrdreg $0xFFFFFFFF  }
0xb3: {  	[dreg:$0x0] =	wrdreg $0x60  }
0xb4: {  	[dreg:$0x2] =	wrdreg s16  }
0xb5: {  	[dreg:$0x3] =	wrdreg s24  }
0xb6: {  	[dreg:$0x4] =	wrdreg $0x9  }
0xb7: {  	_ =	task.clear_ibuf [dreg:s7], $0x5FFFF;
	_ =	strace $0x90000046  }
0xb8: {  	s29 =	simm.s32 $0x9;
	_ =	strace $0x80000048  }
0xb9: {  	_ =	swait.ge [sflag:s29], $0x1  }
0xba: {  	[sflag:s29] =	ssyncadd.s32 $0xFFFFFFFF  }
0xbb: {  	_ =	strace $0x90000048  }
0xbc: {  	_ =	sfence  }
0xbd: {  	s30 =	sld [smem:$0x0];
	_ =	sdelay $0x2  }
0xbe: {  	s31 =	sshll.u32 s1, $0xD;
	s1 =	sshrl.u32 s1, $0x2  }
0xbf: {  	s3 =	sand.u32 $0x4000, s31;
	s1 =	sadd.s32 s1, s30  }
0xc0: {  	s0 =	sor.u32 s3, s0;
	s1 =	sshll.u32 s1, $0x11  }
0xc1: {  	s0 =	sor.u32 s1, s0  }
0xc2: {  	s0 =	sadd.s32 $0x8F2B, s0  }
0xc3: {  	[sflag:s0] =	ssyncadd.remote.s32 $0x1  }
0xc4: {  	_ =	sfence.sel $0xFFFF  }
0xc5: {  	[dreg:$0x0] =	wrdreg $0xFFFFFFFF;
	(pc) =	sbr.abs _section_cstart, $3  }
0xc6: {  	[dreg:$0x1] =	wrdreg $0xFFFFFFFF  }
0xc7: {  	_ =	task.clear_ibuf [dreg:s7], $0x2FFFF;
	_ =	strace $0x9FFFFFFF  }
0xc8: {  	(tm) =	ssettm $0x7FFFFFFF  }
0xc9: {  	_ =	shalt  }
tec
execute0_lowered:
.L_overlay_start_1:
0x0: {  	(tag) =	ssettag $0x1  }
0x1: {  	s4 =	rddreg [dreg:$0x0]  }
0x2: {  	s5 =	rddreg [dreg:$0x1]  }
0x3: {  	s0 =	rddreg [dreg:$0x2];
	s2 =	simm.s32 $0x0  }
0x4: {  	s1 =	stileid.u32;
	s3 =	srdreg.scid;
	s11 =	simm.s32 $0x0  }
0x5: {  	[smem:$0x7FF] =	sst s2;
	s7 =	sand.u32 $0x1, s3;
	s3 =	sadd.s32 $0x3E9A00, s5  }
0x6: {  	s6 =	sshll.u32 s1, $0xD;
	s9 =	sshll.u32 s1, $0xA;
	_ =	strace $0x80000047  }
0x7: {  	s6 =	sadd.s32 s6, s5;
	s30 =	ssub.s32 $0x2, s7;
	s10 =	sshll.u32 s7, $0x9  }
0x8: {  	s7 =	sshll.u32 s7, $0xC;
	s8 =	sshrl.u32 s30, $0x1;
	s31 =	sor.u32 s10, s9  }
0x9: {  	s6 =	sadd.s32 s7, s6;
	s7 =	simm.s32 $0x2;
	s9 =	simm.s32 $0x1000  }
0xa: {  	s10 =	simm.s32 $0x1;
	s5 =	ssub.s32 s30, s8;
	s4 =	sadd.s32 s4, s31  }
0xb: {  	s6 =	sadd.s32 $0x1200, s6;
	s8 =	simm.s32 $0x80;
	s5 =	smax.u32 s5, $0x1  }
.LBB2_1:
0xc: {  	[tilespmem:s2], [sflag:$0x2] =	stream.linear.gather [hbm4b:s4+s2], $0x1000, $0x38;
	[tilespmem:$0x1400] =	vst v63  }
0xd: {  	_ =	swait.ge [sflag:s7], $0x1000  }
0xe: {  	[sflag:s7] =	ssyncset.done $0x0  }
0xf: {  	[sflag:s7] =	ssyncadd.s32 $0xFFFFF000  }
0x10: {  	[tilespmem:s9], [sflag:$0x1] =	stream.indirect.gather [hbm4b:s3+s8], $0x8, s2, s8, $0xb8;
	[tilespmem:$0x1400] =	vst v63  }
0x11: {  	_ =	swait.ge [sflag:s10], $0x400  }
0x12: {  	[sflag:s10] =	ssyncset.done $0x0  }
0x13: {  	s12 =	sadd.s32 $0x0, s6;
	[sflag:s10] =	ssyncadd.s32 $0xFFFFFC00  }
0x14: {  	[hbm4b:s12+s2] =	stream.linear.scatter [tilespmem:s9], [sflag:$0x2], $0x400, $0x38;
	[tilespmem:$0x1400] =	vst v63  }
0x15: {  	_ =	swait.ge [sflag:s7], $0x400  }
0x16: {  	s13 =	simm.s32 $0x0;
	s12 =	simm.s32 $0x80;
	[sflag:s7] =	ssyncset.done $0x0  }
.LBB2_2:
0x17: {  	p0 =	sne.s32 s12, $0xF80;
	[sflag:s7] =	ssyncadd.s32 $0xFFFFFC00;
	s13 =	sadd.s32 $0x80, s13  }
0x18: {  	[tilespmem:s9], [sflag:$0x1] =	stream.indirect.gather [hbm4b:s3+s8], $0x8, s13, s8, $0xb8;
	[tilespmem:$0x1400] =	vst v63  }
0x19: {  	s14 =	smov.u32 s12;
	s12 =	sadd.s32 $0x80, s12;
	_ =	swait.ge [sflag:s10], $0x400  }
.Ltmp0:
0x1a: {  	[sflag:s10] =	ssyncset.done $0x0;
	(pc) =	sbr.rel @p0 .LBB2_2-.Ltmp0, $4  }
0x1b: {  	s14 =	sadd.s32 s14, s6;
	[sflag:s10] =	ssyncadd.s32 $0xFFFFFC00  }
0x1c: {  	[hbm4b:s14+s2] =	stream.linear.scatter [tilespmem:s9], [sflag:$0x2], $0x400, $0x38;
	[tilespmem:$0x1400] =	vst v63  }
0x1d: {  	_ =	swait.ge [sflag:s7], $0x400  }
0x1e: {  	[sflag:s7] =	ssyncset.done $0x0  }
0x1f: {  	s11 =	sadd.s32 $0x1, s11  }
0x20: {  	p0 =	sne.s32 s11, s5  }
.Ltmp1:
0x21: {  	_ = 	snop;
	(pc) =	sbr.rel @p0 .LBB2_1-.Ltmp1, $2  }
0x22: {  	_ =	sdelay $0x2  }
0x23: {  	[sflag:s7] =	ssyncadd.s32 $0xFFFFFC00  }
0x24: {  	_ =	sfence.sel $0x180000  }
0x25: {  	[bflag:$0x0] =	sbarrier.arrive $0xFFFF  }
0x26: {  	p0 =	sne.s32 s1, $0x0;
	_ =	strace $0x90000047  }
0x27: {  	s0 =	sadd.s32 @!p0 $0x100000, s0;
	[bflag:$0x2] =	sbarrier.arrive $0xFFFF  }
0x28: {  	[sflag:s0] =	ssyncadd.tile.s32 @!p0 $0x1;
	_ =	shalt  }
.Lfunc_end2:
_tile_overlayer_lowered:
.L_overlay_start_2:
0x29: {  	(tag) =	ssettag $0x2  }
0x2a: {  	s0 =	rddreg [dreg:$0x0];
	s2 =	stileid.u32  }
0x2b: {  	s1 =	rddreg [dreg:$0x1];
	p0 =	sne.s32 s2, $0x0  }
0x2c: {  	s3 =	rddreg [dreg:$0x2];
	[bflag:$0x3] =	sbarrier.arrive $0xFFFF;
	s2 =	simm.s32 @!p0 $0x1C02  }
0x2d: {  	[timem:s3], [sflag:s2] =	dma.local @!p0 [hbm:s0], s1  }
0x2e: {  	s0 =	simm.s32 @!p0 $0x2  }
0x2f: {  	_ =	swait.ge @!p0 [sflag:s0], s1  }
0x30: {  	s1 =	ssub.s32 @!p0 $0x0, s1;
	[sflag:s0] =	ssyncset.done @!p0 $0x0  }
0x31: {  	[sflag:s0] =	ssyncadd.s32 @!p0 s1  }
0x32: {  	[bflag:$0x3] =	sbarrier.arrive $0xFFFF  }
0x33: {  	_ =	shalt  }

// kernel: kernel.8.cloned.1.call-start
scs
__scs_entry_jumppad:
0x0: {  	(pc) =	sbr.rel $0x88, $3  }
0x1: {  	(tag) =	ssettag $0x0;
	lr =	simm.s32 $0x1  }
0x2: {  	[smem:$0x3F91] =	sst lr;
	_ =	strace $0xD0000000  }
0x3: {  	_ = 	snop  }
0x4: {  	_ = 	snop  }
0x5: {  	_ = 	snop  }
0x6: {  	_ = 	snop  }
0x7: {  	_ = 	snop  }
__scs_overlays_trampoline_lowered:
0x8: {  	[smem:$0x3FA0] =	sst s0  }
0x9: {  	[smem:$0x3FA1] =	sst s1  }
0xa: {  	[smem:$0x3FA2] =	sst s2  }
0xb: {  	[smem:$0x3FA3] =	sst s3  }
0xc: {  	[smem:$0x3FA4] =	sst s4  }
0xd: {  	[smem:$0x3FA5] =	sst s5  }
0xe: {  	[smem:$0x3FA6] =	sst s6  }
0xf: {  	[smem:$0x3FA7] =	sst s7  }
0x10: {  	[smem:$0x3FA8] =	sst s8  }
0x11: {  	[smem:$0x3FA9] =	sst s9;
	s0 =	simm.s32 @!p0 $0x0  }
0x12: {  	s1 =	sld [smem:$0x3F8F];
	s0 =	simm.s32 @p0 $0x1  }
0x13: {  	[smem:$0x3FAA] =	sst s0;
	s0 =	simm.s32 @!p1 $0x0  }
0x14: {  	s2 =	sld [smem:$0x3F8E];
	s0 =	simm.s32 @p1 $0x1  }
0x15: {  	[smem:$0x3FAB] =	sst s0;
	s0 =	simm.s32 @!p2 $0x0  }
0x16: {  	s3 =	sld [smem:$0x3FDB];
	s0 =	simm.s32 @p2 $0x1  }
0x17: {  	s4 =	simm.s32 $0x1BF5;
	[smem:$0x3FAD] =	sst s0  }
0x18: {  	s0 =	sld [smem:$0x3F90];
	_ =	swait.ge [sflag:s4], $0x0  }
0x19: {  	s7 =	sld [smem:$0x3F91]  }
0x1a: {  	s8 =	sadd.s32 $0xFFFFE003, lr  }
0x1b: {  	s9 =	sadd.s32 $0xFFFFFEF7, lr;
	s5 =	simm.s32 $0xFFFFFFFF;
	p2 =	slt.u32 s8, $0xFFFFF086  }
0x1c: {  	p1 =	slt.u32 s9, $0xF7A;
	s5 =	simm.s32 @!p2 $0x0  }
0x1d: {  	s5 =	simm.s32 @p1 $0x1;
	p0 =	seq.s32 s7, s2  }
0x1e: {  	s7 =	smul.u32 @!p0 $0xF7A, s2;
	p2 =	seq.s32 @!p0 s5, $0x0  }
0x1f: {  	s9 =	smul.u32 $0xF7A, s1;
	s8 =	simm.s32 @!p0 $0x1BF5;
	p2 =	por !p2, p0  }
0x20: {  	[sflag:s8] =	ssyncset.s32 @!p0 $0xFFFFF086;
	s6 =	sadd.s32 @!p0 s3, s7;
	s7 =	simm.s32 @!p0 $0x108  }
0x21: {  	s3 =	sadd.s32 s3, s9;
	s6 =	sadd.s32 @!p0 $0x88, s6;
	s7 =	simm.s32 @p2 $0x1082  }
0x22: {  	[simem:s7], [sflag:s8] =	dma.local @!p0 [hbm:s6], $0xF7A  }
0x23: {  	s9 =	sor.u32 $0xD0000000, s2;
	s6 =	simm.s32 $0x108;
	_ =	swait.ge @!p0 [sflag:s8], $0x0  }
0x24: {  	s3 =	sadd.s32 $0x88, s3;
	s6 =	simm.s32 @!p1 $0x1082;
	[sflag:s4] =	ssyncset.s32 $0xFFFFF086  }
0x25: {  	[simem:s6], [sflag:s4] =	dma.local [hbm:s3], $0xF7A  }
0x26: {  	[smem:$0x3F91] =	sst s1;
	(tag) =	ssettag s2;
	_ =	strace s9  }
0x27: {  	s1 =	sld [smem:$0x3FA1]  }
0x28: {  	s2 =	sld [smem:$0x3FA2]  }
0x29: {  	s4 =	sld [smem:$0x3FA4]  }
0x2a: {  	p0 =	seq.s32 s5, $0x0;
	s5 =	sld [smem:$0x3FA5]  }
0x2b: {  	s6 =	sld [smem:$0x3FA6]  }
0x2c: {  	s7 =	sld [smem:$0x3FA7]  }
0x2d: {  	s3 =	simm.s32 $0x108;
	s8 =	sld [smem:$0x3FA8]  }
0x2e: {  	s3 =	simm.s32 @!p0 $0x1082;
	s9 =	sld [smem:$0x3FA9]  }
0x2f: {  	lr =	sadd.s32 s0, s3;
	s0 =	sld [smem:$0x3FA0]  }
0x30: {  	s3 =	sld [smem:$0x3FA3]  }
0x31: {  	[smem:$0x3FAC] =	sst s10  }
0x32: {  	s10 =	sld [smem:$0x3FAA];
	_ =	sdelay $0x3  }
0x33: {  	p0 =	seq.s32 s10, $0x1;
	s10 =	sld [smem:$0x3FAC];
	_ =	sdelay $0x3  }
0x34: {  	[smem:$0x3FAC] =	sst s10  }
0x35: {  	s10 =	sld [smem:$0x3FAB];
	_ =	sdelay $0x3  }
0x36: {  	p1 =	seq.s32 s10, $0x1;
	s10 =	sld [smem:$0x3FAC];
	_ =	sdelay $0x3  }
0x37: {  	[smem:$0x3FAC] =	sst s10  }
0x38: {  	s10 =	sld [smem:$0x3FAD]  }
0x39: {  	_ = 	snop;
	(pc) =	sbr.ind lr, $3  }
0x3a: {  	_ = 	snop  }
0x3b: {  	_ = 	snop  }
0x3c: {  	p2 =	seq.s32 s10, $0x1;
	s10 =	sld [smem:$0x3FAC]  }
0x3d: {  	_ =	shalt  }
0x3e: {  	_ =	shalt  }
0x3f: {  	_ =	shalt  }
0x40: {  	_ =	shalt  }
0x41: {  	_ =	shalt  }
0x42: {  	_ =	shalt  }
0x43: {  	_ =	shalt  }
0x44: {  	_ =	shalt  }
0x45: {  	_ =	shalt  }
0x46: {  	_ =	shalt  }
0x47: {  	_ =	shalt  }
0x48: {  	_ =	shalt  }
0x49: {  	_ =	shalt  }
0x4a: {  	_ =	shalt  }
0x4b: {  	_ =	shalt  }
0x4c: {  	_ =	shalt  }
0x4d: {  	_ =	shalt  }
0x4e: {  	_ =	shalt  }
0x4f: {  	_ =	shalt  }
0x50: {  	_ =	shalt  }
0x51: {  	_ =	shalt  }
0x52: {  	_ =	shalt  }
0x53: {  	_ =	shalt  }
0x54: {  	_ =	shalt  }
0x55: {  	_ =	shalt  }
0x56: {  	_ =	shalt  }
0x57: {  	_ =	shalt  }
0x58: {  	_ =	shalt  }
0x59: {  	_ =	shalt  }
0x5a: {  	_ =	shalt  }
0x5b: {  	_ =	shalt  }
0x5c: {  	_ =	shalt  }
0x5d: {  	_ =	shalt  }
0x5e: {  	_ =	shalt  }
0x5f: {  	_ =	shalt  }
0x60: {  	_ =	shalt  }
0x61: {  	_ =	shalt  }
0x62: {  	_ =	shalt  }
0x63: {  	_ =	shalt  }
0x64: {  	_ =	shalt  }
0x65: {  	_ =	shalt  }
0x66: {  	_ =	shalt  }
0x67: {  	_ =	shalt  }
0x68: {  	_ =	shalt  }
0x69: {  	_ =	shalt  }
0x6a: {  	_ =	shalt  }
0x6b: {  	_ =	shalt  }
0x6c: {  	_ =	shalt  }
0x6d: {  	_ =	shalt  }
0x6e: {  	_ =	shalt  }
0x6f: {  	_ =	shalt  }
0x70: {  	_ =	shalt  }
0x71: {  	_ =	shalt  }
0x72: {  	_ =	shalt  }
0x73: {  	_ =	shalt  }
0x74: {  	_ =	shalt  }
0x75: {  	_ =	shalt  }
0x76: {  	_ =	shalt  }
0x77: {  	_ =	shalt  }
0x78: {  	_ =	shalt  }
0x79: {  	_ =	shalt  }
0x7a: {  	_ =	shalt  }
0x7b: {  	_ =	shalt  }
0x7c: {  	_ =	shalt  }
0x7d: {  	_ =	shalt  }
0x7e: {  	_ =	shalt  }
0x7f: {  	_ =	shalt  }
0x80: {  	_ =	shalt  }
0x81: {  	_ =	shalt  }
0x82: {  	_ =	shalt  }
0x83: {  	_ =	shalt  }
0x84: {  	_ =	shalt  }
0x85: {  	_ =	shalt  }
0x86: {  	_ =	shalt  }
0x87: {  	_ =	shalt  }
.Lfunc_end0:
.L_simem_size_0:
called_computation.1_lowered:
.L_overlay_start_0:
0x88: {  	s2 =	sld [smem:$0x3FD9]  }
0x89: {  	s3 =	sld [smem:$0x3FFE];
	_ =	sdelay $0x1  }
0x8a: {  	s1 =	srdreg.scid  }
0x8b: {  	s0 =	sand.u32 $0x1, s1  }
0x8c: {  	s14 =	sshll.u32 s0, $0xA;
	s2 =	sadd.s32 s3, s2  }
0x8d: {  	s2 =	sadd.s32 s2, s14  }
0x8e: {  	[smem:$0x3FB8] =	sst s2  }
0x8f: {  	_ = 	snop  }
0x90: {  	s2 =	sld [smem:$0x3FD0];
	_ =	sdelay $0x2  }
0x91: {  	s15 =	simm.s32 $0xA;
	s4 =	simm.s32 $0x10  }
0x92: {  	[smem:s4], [sflag:s15] =	dma.local [hbm:s2], $0x1  }
0x93: {  	_ =	swait.eq [sflag:s15], $0x1  }
0x94: {  	[sflag:s15] =	ssyncset.done $0x0  }
0x95: {  	[sflag:s15] =	ssyncadd.s32 $0xFFFFFFFF  }
0x96: {  	s16 =	sld [smem:$0x10];
	(tm) =	ssettm $0x1  }
0x97: {  	s17 =	sld [smem:$0x3FFB];
	_ =	sdelay $0x3  }
0x98: {  	_ =	strace s17  }
0x99: {  	s3 =	sld [smem:$0x3FFC];
	_ =	sdelay $0x3  }
0x9a: {  	_ =	strace s3  }
0x9b: {  	s3 =	sld [smem:$0x3FFD];
	_ =	sdelay $0x3  }
0x9c: {  	_ =	strace s3  }
0x9d: {  	_ =	strace $0x8FFFFFFF  }
0x9e: {  	s18 =	sld [smem:$0x3FDB];
	_ =	sdelay $0x1  }
0x9f: {  	s19 =	simm.s32 $_scs_section_size  }
0xa0: {  	s5 =	simm.s32 $_size__tile_overlayer_lowered;
	s6 =	simm.s32 $_tile_overlayer_lowered  }
0xa1: {  	s22 =	simm.s32 $0x1BFF;
	s21 =	sshll.u32 s6, $0x1;
	s3 =	sadd.s32 s19, s18  }
0xa2: {  	s7 =	simm.s32 $0x0;
	s20 =	sshll.u32 s5, $0x1;
	s5 =	sadd.s32 s21, s3  }
0xa3: {  	[timem:s7], [sflag:s22] =	dma.local [hbm:s5], s20  }
0xa4: {  	_ =	swait.ge [sflag:s22], s20  }
0xa5: {  	s4 =	ssub.s32 $0x0, s20;
	[sflag:s22] =	ssyncset.done $0x0  }
0xa6: {  	[sflag:s22] =	ssyncadd.s32 s4;
	_ =	sdelay $0x1  }
0xa7: {  	s23 =	simm.s32 $0x1B8B  }
0xa8: {  	_ =	swait.ge [sflag:s23], $0x1  }
0xa9: {  	[sflag:s23] =	ssyncset.done $0x0  }
0xaa: {  	s25 =	simm.s32 $0x1B8E;
	s24 =	sld [smem:$0x3FFE];
	[sflag:s23] =	ssyncadd.s32 $0xFFFFFFFF  }
0xab: {  	s26 =	simm.s32 $execute0_lowered;
	[smem:$0x3FD2] =	sst s25  }
0xac: {  	s5 =	sshll.u32 s26, $0x1;
	_ =	strace $0x80000049;
	[dreg:$0x1] =	wrdreg $0xFFFFFFFF  }
0xad: {  	s28 =	simm.s32 $_size_execute0_lowered;
	s3 =	sadd.s32 s3, s5;
	[dreg:$0x0] =	wrdreg $0x0  }
0xae: {  	s5 =	sshll.u32 s28, $0x1;
	[dreg:$0x2] =	wrdreg s3  }
0xaf: {  	[dreg:$0x3] =	wrdreg s5  }
0xb0: {  	[dreg:$0x4] =	wrdreg $0xC0  }
0xb1: {  	_ =	task [dreg:s7], $0x5FFFF  }
0xb2: {  	[dreg:$0x1] =	wrdreg $0xFFFFFFFF  }
0xb3: {  	[dreg:$0x0] =	wrdreg $0x60  }
0xb4: {  	[dreg:$0x2] =	wrdreg s24  }
0xb5: {  	[dreg:$0x3] =	wrdreg s16  }
0xb6: {  	[dreg:$0x4] =	wrdreg $0x9  }
0xb7: {  	_ =	task.clear_ibuf [dreg:s7], $0x5FFFF;
	_ =	strace $0x90000049  }
0xb8: {  	s29 =	simm.s32 $0x9;
	_ =	strace $0x8000004B  }
0xb9: {  	_ =	swait.ge [sflag:s29], $0x1  }
0xba: {  	[sflag:s29] =	ssyncadd.s32 $0xFFFFFFFF  }
0xbb: {  	_ =	strace $0x9000004B  }
0xbc: {  	_ =	sfence  }
0xbd: {  	s30 =	sld [smem:$0x0];
	_ =	sdelay $0x2  }
0xbe: {  	s31 =	sshll.u32 s1, $0xD;
	s1 =	sshrl.u32 s1, $0x2  }
0xbf: {  	s3 =	sand.u32 $0x4000, s31;
	s1 =	sadd.s32 s1, s30  }
0xc0: {  	s0 =	sor.u32 s3, s0;
	s1 =	sshll.u32 s1, $0x11  }
0xc1: {  	s0 =	sor.u32 s1, s0  }
0xc2: {  	s0 =	sadd.s32 $0x8F2B, s0  }
0xc3: {  	[sflag:s0] =	ssyncadd.remote.s32 $0x1  }
0xc4: {  	_ =	sfence.sel $0xFFFF  }
0xc5: {  	[dreg:$0x0] =	wrdreg $0xFFFFFFFF;
	(pc) =	sbr.abs _section_cstart, $3  }
0xc6: {  	[dreg:$0x1] =	wrdreg $0xFFFFFFFF  }
0xc7: {  	_ =	task.clear_ibuf [dreg:s7], $0x2FFFF;
	_ =	strace $0x9FFFFFFF  }
0xc8: {  	(tm) =	ssettm $0x7FFFFFFF  }
0xc9: {  	_ =	shalt  }
tec
execute0_lowered:
.L_overlay_start_1:
0x0: {  	(tag) =	ssettag $0x1  }
0x1: {  	s3 =	rddreg [dreg:$0x0]  }
0x2: {  	s1 =	rddreg [dreg:$0x1]  }
0x3: {  	s0 =	rddreg [dreg:$0x2];
	s2 =	simm.s32 $0x0;
	s4 =	srdreg.scid  }
0x4: {  	s9 =	simm.s32 $0x1;
	s10 =	simm.s32 $0xBD0;
	s11 =	simm.s32 $0x0  }
0x5: {  	s16 =	simm.s32 $0x0;
	[smem:$0x7FF] =	sst s2;
	s6 =	sand.u32 $0x1, s4  }
0x6: {  	s4 =	sadd.s32 $0x21200, s3;
	s5 =	sadd.s32 $0x1200, s3;
	s7 =	ssub.s32 $0x2, s6  }
0x7: {  	s3 =	stileid.u32;
	_ =	strace $0x8000004A;
	s8 =	sshrl.u32 s7, $0x1  }
0x8: {  	s31 =	sshll.u32 s3, $0x3;
	s6 =	sshll.u32 s6, $0x2;
	s7 =	ssub.s32 s7, s8  }
0x9: {  	v0 =	vimm.f32 $0.0e+00;
	s6 =	sor.u32 s6, s31;
	s8 =	simm.s32 $0x7E0;
	s7 =	smax.u32 s7, $0x1  }
.LBB2_1:
0xa: {  	s12 =	simm.s32 $0x0  }
.LBB2_2:
0xb: {  	s13 =	simm.s32 $0x40;
	s14 =	simm.s32 $0x0  }
.LBB2_3:
0xc: {  	p0 =	sne.s32 s13, $0x1F40;
	[tilespmem:s14+$0x0] =	vst v0;
	s14 =	smov.u32 s13;
	s13 =	sadd.s32 $0x40, s13  }
.Ltmp0:
0xd: {  	(pc) =	sbr.rel @p0 .LBB2_3-.Ltmp0, $2  }
0xe: {  	_ =	sdelay $0x2  }
0xf: {  	s14 =	sshra.s32 s14, $0x2  }
0x10: {  	s13 =	sadd.s32 s6, s12  }
0x11: {  	s15 =	smul.u32 $0x7D, s13;
	_ =	sdelay $0x1  }
0x12: {  	[tilespmem:s14+$0x0] =	vst v0;
	s30 =	sadd.s32 s4, s15  }
0x13: {  	[tilespmem:s8], [sflag:$0x1] =	stream.linear.gather [hbm4b:s30+s16], $0x3E8, $0x38;
	[tilespmem:$0xFC0] =	vst v63  }
0x14: {  	_ =	swait.ge [sflag:s9], $0x3E8  }
0x15: {  	[sflag:s9] =	ssyncset.done $0x0  }
0x16: {  	s31 =	sadd.s32 s1, s15;
	[sflag:s9] =	ssyncadd.s32 $0xFFFFFC18  }
0x17: {  	[tilespmem:s10], [sflag:$0x1] =	stream.linear.gather [hbm4b:s31+s16], $0x3E8, $0x38;
	[tilespmem:$0xFC0] =	vst v63  }
0x18: {  	_ =	swait.ge [sflag:s9], $0x3E8  }
0x19: {  	[sflag:s9] =	ssyncset.done $0x0  }
0x1a: {  	s14 =	simm.s32 $0x40;
	s15 =	simm.s32 $0x0;
	[sflag:s9] =	ssyncadd.s32 $0xFFFFFC18  }
.LBB2_5:
0x1b: {  	p0 =	sne.s32 s14, $0xF40;
	v1 =	vld [tilespmem:s15+$0x7E0];
	_ =	sdelay $0x2  }
0x1c: {  	v2 =	vld [tilespmem:s15+$0xBD0]  }
.Ltmp1:
0x1d: {  	(pc) =	sbr.rel @p0 .LBB2_5-.Ltmp1, $2  }
0x1e: {  	_ =	sdelay $0x2  }
0x1f: {  	s15 =	sshra.s32 s14, $0x2;
	s14 =	sadd.s32 $0x40, s14;
	[tilespmem:v1+s2+$0x0] =	vst.idx.msk $0xffff, v2  }
0x20: {  	v1 =	vld [tilespmem:s15+$0x7E0];
	_ =	sdelay $0x2  }
0x21: {  	v2 =	vld [tilespmem:s15+$0xBD0];
	_ =	sdelay $0x4  }
0x22: {  	[tilespmem:v1+s2+$0x0] =	vst.idx.msk $0xffff, v2  }
0x23: {  	v1 =	vld [tilespmem:$0xBC0];
	_ =	sdelay $0x2  }
0x24: {  	v2 =	vld [tilespmem:$0xFB0];
	_ =	sdelay $0x2  }
0x25: {  	s13 =	smul.u32 $0xFC, s13;
	s12 =	sadd.s32 $0x1, s12  }
0x26: {  	p0 =	sne.s32 s12, $0x4  }
.Ltmp2:
0x27: {  	s13 =	sadd.s32 s5, s13;
	[tilespmem:v1+s2+$0x0] =	vst.idx.msk $0xff, v2;
	(pc) =	sbr.rel @p0 .LBB2_2-.Ltmp2, $4  }
0x28: {  	[hbm4b:s13+s2] =	stream.linear.scatter [tilespmem:s2], [sflag:$0x1], $0x7E0, $0x38;
	[tilespmem:$0xFC0] =	vst v63  }
0x29: {  	_ =	swait.ge [sflag:s9], $0x7E0  }
0x2a: {  	[sflag:s9] =	ssyncset.done $0x0  }
0x2b: {  	[sflag:s9] =	ssyncadd.s32 $0xFFFFF820  }
0x2c: {  	s11 =	sadd.s32 $0x1, s11  }
0x2d: {  	p0 =	sne.s32 s11, s7  }
.Ltmp3:
0x2e: {  	_ = 	snop;
	(pc) =	sbr.rel @p0 .LBB2_1-.Ltmp3, $1  }
0x2f: {  	_ =	sdelay $0x3  }
0x30: {  	_ =	sfence.sel $0x180000  }
0x31: {  	[bflag:$0x0] =	sbarrier.arrive $0xFFFF  }
0x32: {  	p0 =	sne.s32 s3, $0x0;
	_ =	strace $0x9000004A  }
0x33: {  	s0 =	sadd.s32 @!p0 $0x100000, s0;
	[bflag:$0x2] =	sbarrier.arrive $0xFFFF  }
0x34: {  	[sflag:s0] =	ssyncadd.tile.s32 @!p0 $0x1;
	_ =	shalt  }
.Lfunc_end2:
_tile_overlayer_lowered:
.L_overlay_start_2:
0x35: {  	(tag) =	ssettag $0x2  }
0x36: {  	s0 =	rddreg [dreg:$0x0];
	s2 =	stileid.u32  }
0x37: {  	s1 =	rddreg [dreg:$0x1];
	p0 =	sne.s32 s2, $0x0  }
0x38: {  	s3 =	rddreg [dreg:$0x2];
	[bflag:$0x3] =	sbarrier.arrive $0xFFFF;
	s2 =	simm.s32 @!p0 $0x1C01  }
0x39: {  	[timem:s3], [sflag:s2] =	dma.local @!p0 [hbm:s0], s1  }
0x3a: {  	s0 =	simm.s32 @!p0 $0x1  }
0x3b: {  	_ =	swait.ge @!p0 [sflag:s0], s1  }
0x3c: {  	s1 =	ssub.s32 @!p0 $0x0, s1;
	[sflag:s0] =	ssyncset.done @!p0 $0x0  }
0x3d: {  	[sflag:s0] =	ssyncadd.s32 @!p0 s1  }
0x3e: {  	[bflag:$0x3] =	sbarrier.arrive $0xFFFF  }
0x3f: {  	_ =	shalt  }

</sc_bundles>
